<compile_context>
chip_gen: v7x
topology: tpu7x:2x2x1
jax: 0.10.2.dev20260603
libtpu: 0.0.44.dev20260713+nightly
codegen_flags: <defaults>
</compile_context>

<pallas_src>
import functools

import jax
import jax.numpy as jnp
from jax import lax
from jax.experimental import pallas as pl
from jax.experimental.pallas import tpu as pltpu
from jax.experimental.pallas import tpu_sc as plsc

B = 16384
D = 32
N_ROWS = 1000000
GROUPS = 4
WIDE = D * GROUPS
PANEL = 32768
SEG = PANEL // GROUPS
SH_PANEL = PANEL.bit_length() - 1
SH_SEG = SEG.bit_length() - 1
N_PANELS = -(-N_ROWS // PANEL)
N_WIDE = N_PANELS * SEG
NC = 2
NS = 16
NW = NC * NS
B_PER_W = B // NW
IDX_CHUNK = 128
N_CHUNKS = B_PER_W // IDX_CHUNK
L = 16


def _pack_body(u_ref, p_ref, uo_ref, po_ref):
    for src, dst in ((u_ref, uo_ref), (p_ref, po_ref)):
        x = src[...]
        stacked = jnp.concatenate(
            [x[:, g * SEG:(g + 1) * SEG] for g in range(GROUPS)], axis=0)
        dst[...] = jnp.transpose(stacked)


def _pack(ut, pt):
    return pl.pallas_call(
        _pack_body,
        out_shape=(
            jax.ShapeDtypeStruct((N_WIDE, WIDE), jnp.float32),
            jax.ShapeDtypeStruct((N_WIDE, WIDE), jnp.float32),
        ),
        grid=(N_PANELS,),
        in_specs=[
            pl.BlockSpec((D, PANEL), lambda i: (0, i)),
            pl.BlockSpec((D, PANEL), lambda i: (0, i)),
        ],
        out_specs=(
            pl.BlockSpec((SEG, WIDE), lambda i: (i, 0)),
            pl.BlockSpec((SEG, WIDE), lambda i: (i, 0)),
        ),
    )(ut, pt)


def _make_sc_gather():
    mesh = plsc.VectorSubcoreMesh(core_axis_name="c", subcore_axis_name="s")

    @functools.partial(
        pl.kernel,
        out_type=(
            jax.ShapeDtypeStruct((B, WIDE), jnp.float32),
            jax.ShapeDtypeStruct((B, WIDE), jnp.float32),
        ),
        mesh=mesh,
        scratch_types=[
            pltpu.VMEM((B_PER_W,), jnp.int32),
            pltpu.VMEM((B_PER_W,), jnp.int32),
            pltpu.VMEM((B_PER_W,), jnp.int32),
            pltpu.VMEM((B_PER_W, WIDE), jnp.float32),
            pltpu.SemaphoreType.DMA,
        ],
    )
    def gather(ut_hbm, pt_hbm, ui_hbm, pi_hbm, uo_hbm, po_hbm,
               uidx_v, pidx_v, sidx_v, rows_v, sem):
        wid = lax.axis_index("s") * NC + lax.axis_index("c")
        base = wid * B_PER_W
        pltpu.sync_copy(ui_hbm.at[pl.ds(base, B_PER_W)], uidx_v)
        pltpu.sync_copy(pi_hbm.at[pl.ds(base, B_PER_W)], pidx_v)

        def run_table(idx_v, t_hbm, o_hbm):
            for i in range(B_PER_W // L):
                sl = pl.ds(i * L, L)
                v = idx_v[sl]
                sidx_v[sl] = (lax.shift_right_logical(v, SH_PANEL) * SEG
                              + lax.bitwise_and(v, SEG - 1))
            copies = []
            for j in range(N_CHUNKS):
                sl = pl.ds(j * IDX_CHUNK, IDX_CHUNK)
                copies.append(pltpu.async_copy(
                    t_hbm.at[sidx_v.at[sl]], rows_v.at[sl], sem))
            for c in copies:
                c.wait()
            pltpu.sync_copy(rows_v, o_hbm.at[pl.ds(base, B_PER_W)])

        run_table(uidx_v, ut_hbm, uo_hbm)
        run_table(pidx_v, pt_hbm, po_hbm)

    return gather


_sc_gather = _make_sc_gather()

BLK = 4096


def _mlp_body(uf_ref, pf_ref, uix_ref, pix_ref, w1u_ref, w1p_ref, b1_ref,
              w2_ref, b2_ref, w3_ref, b3_ref, o_ref):
    colgrp = lax.broadcasted_iota(jnp.int32, (1, WIDE), 1) // D
    usel = lax.bitwise_and(lax.shift_right_logical(uix_ref[...], SH_SEG), 3)
    psel = lax.bitwise_and(lax.shift_right_logical(pix_ref[...], SH_SEG), 3)
    um = jnp.where(colgrp == usel, uf_ref[...], 0.0)
    pm = jnp.where(colgrp == psel, pf_ref[...], 0.0)
    h1 = (jnp.dot(um, w1u_ref[...], preferred_element_type=jnp.float32)
          + jnp.dot(pm, w1p_ref[...], preferred_element_type=jnp.float32)
          + b1_ref[...])
    h1 = jnp.maximum(h1, 0.0)
    h2 = jnp.dot(h1, w2_ref[...], preferred_element_type=jnp.float32) + b2_ref[...]
    h2 = jnp.maximum(h2, 0.0)
    o_ref[...] = jnp.sum(h2 * w3_ref[...], axis=1) + b3_ref[0, 0]


def _mlp(uf, pf, uix, pix, w1u4, w1p4, b1, w2, b2, w3, b3):
    full = lambda i: (0, 0)
    return pl.pallas_call(
        _mlp_body,
        out_shape=jax.ShapeDtypeStruct((B,), jnp.float32),
        grid=(B // BLK,),
        in_specs=[
            pl.BlockSpec((BLK, WIDE), lambda i: (i, 0)),
            pl.BlockSpec((BLK, WIDE), lambda i: (i, 0)),
            pl.BlockSpec((BLK, 1), lambda i: (i, 0)),
            pl.BlockSpec((BLK, 1), lambda i: (i, 0)),
            pl.BlockSpec((WIDE, 64), full),
            pl.BlockSpec((WIDE, 64), full),
            pl.BlockSpec((1, 64), full),
            pl.BlockSpec((64, 32), full),
            pl.BlockSpec((1, 32), full),
            pl.BlockSpec((1, 32), full),
            pl.BlockSpec((1, 1), full),
        ],
        out_specs=pl.BlockSpec((BLK,), lambda i: (i,)),
    )(uf, pf, uix, pix, w1u4, w1p4, b1, w2, b2, w3, b3)


def kernel(user_tensor, product_tensor, user_table, product_table,
           W1, b1, W2, b2, W3, b3):
    uix = user_tensor.astype(jnp.int32)
    pix = product_tensor.astype(jnp.int32)
    u_wide, p_wide = _pack(user_table.T, product_table.T)
    uf, pf = _sc_gather(u_wide, p_wide, uix, pix)
    w1u = W1[:, :D].T
    w1p = W1[:, D:].T
    w1u4 = jnp.concatenate([w1u] * GROUPS, axis=0)
    w1p4 = jnp.concatenate([w1p] * GROUPS, axis=0)
    return _mlp(uf, pf, uix.reshape(B, 1), pix.reshape(B, 1),
                w1u4, w1p4, b1.reshape(1, 64), W2.T, b2.reshape(1, 32),
                W3.reshape(1, 32), b3.reshape(1, 1))

# --- scband reference (transcript-rebuilt; emitter-appended) ---
"""Pipeline reference for scband-souq-yemen-recommender-86431921865192 (READ-ONLY COPY).

The authoritative reference and input builder live on the scoring server;
editing this copy changes nothing except your own understanding.
"""

import jax, jax.numpy as jnp
import numpy as np

B = 16384
NUM_USERS = 1000000
NUM_PRODUCTS = 1000000
D = 32


def setup_inputs(seed: int = 0) -> dict:
    key = jax.random.key(seed)
    ks = jax.random.split(key, 10)
    user_tensor = jax.random.randint(ks[0], (B,), 0, NUM_USERS, dtype=jnp.int64 if jax.config.jax_enable_x64 else jnp.int32)
    product_tensor = jax.random.randint(ks[1], (B,), 0, NUM_PRODUCTS, dtype=jnp.int64 if jax.config.jax_enable_x64 else jnp.int32)
    user_table = jax.random.normal(ks[2], (NUM_USERS, D), dtype=jnp.float32) * 0.02
    product_table = jax.random.normal(ks[3], (NUM_PRODUCTS, D), dtype=jnp.float32) * 0.02
    W1 = jax.random.normal(ks[4], (64, 2 * D), dtype=jnp.float32) * 0.05
    b1 = jnp.zeros((64,), dtype=jnp.float32)
    W2 = jax.random.normal(ks[5], (32, 64), dtype=jnp.float32) * 0.05
    b2 = jnp.zeros((32,), dtype=jnp.float32)
    W3 = jax.random.normal(ks[6], (1, 32), dtype=jnp.float32) * 0.05
    b3 = jnp.zeros((1,), dtype=jnp.float32)
    return {
        "user_tensor": user_tensor,
        "product_tensor": product_tensor,
        "user_table": user_table,
        "product_table": product_table,
        "W1": W1, "b1": b1,
        "W2": W2, "b2": b2,
        "W3": W3, "b3": b3,
    }


def reference(user_tensor, product_tensor, user_table, product_table, W1, b1, W2, b2, W3, b3):
    u = jnp.take(user_table, user_tensor, axis=0)
    p = jnp.take(product_table, product_tensor, axis=0)
    x = jnp.concatenate([u, p], axis=1)
    x = jax.nn.relu(x @ W1.T + b1)
    x = jax.nn.relu(x @ W2.T + b2)
    out = x @ W3.T + b3
    return jnp.squeeze(out, axis=-1)

if __name__ == "__main__":
    import jax
    _d = setup_inputs()
    print(jax.jit(kernel)(*tuple(_d.values())))

</pallas_src>

<mosaic_0001>
#map = affine_map<(d0, d1) -> (0, 0)>
#map1 = affine_map<(d0, d1) -> (0)>
module attributes {stable_mosaic.version = 14 : i64} {
  func.func @gather(%arg0: i32, %arg1: i32, %arg2: memref<253952x128xf32, #tpu.memory_space<hbm>>, %arg3: memref<253952x128xf32, #tpu.memory_space<hbm>>, %arg4: memref<16384xi32, #tpu.memory_space<hbm>>, %arg5: memref<16384xi32, #tpu.memory_space<hbm>>, %arg6: memref<16384x128xf32, #tpu.memory_space<hbm>>, %arg7: memref<16384x128xf32, #tpu.memory_space<hbm>>, %arg8: memref<512xi32, #tpu.memory_space<vmem>>, %arg9: memref<512xi32, #tpu.memory_space<vmem>>, %arg10: memref<512xi32, #tpu.memory_space<vmem>>, %arg11: memref<512x128xf32, #tpu.memory_space<vmem>>, %arg12: memref<!tpu.dma_semaphore, #tpu.memory_space<semaphore_mem>>) attributes {dimension_semantics = [#tpu.dimension_semantics<core_parallel>, #tpu.dimension_semantics<subcore_parallel>], iteration_bounds = array<i64: 2, 16>, scalar_prefetch = 0 : i64, scratch_operands = 5 : i64, tpu.core_type = #tpu.core_type<sc_vector_subcore>, window_params = [{transform_indices = #map}, {transform_indices = #map}, {transform_indices = #map1}, {transform_indices = #map1}, {transform_indices = #map}, {transform_indices = #map}]} {
    %mul3A = arith.constant 2 : i32
    %mul3A_0 = arith.muli %arg1, %mul3A : i32
    %add3A = arith.addi %mul3A_0, %arg0 : i32
    %mul3A_1 = arith.constant 512 : i32
    %mul3A_2 = arith.muli %add3A, %mul3A_1 : i32
    "tpu.region"() ({
      %run_scoped3A = tpu.sem_alloc : memref<!tpu.dma_semaphore, #tpu.memory_space<semaphore_mem>>
      %dma_start3A_1213 = tpu.memref_slice %arg4[%mul3A_2] : memref<16384xi32, #tpu.memory_space<hbm>> -> memref<512xi32, #tpu.memory_space<hbm>>
      %dma_start3A_1214 = tpu.memref_slice %arg4[%mul3A_2] : memref<16384xi32, #tpu.memory_space<hbm>> -> memref<512xi32, #tpu.memory_space<hbm>>
      tpu.enqueue_dma source(%dma_start3A_1214 : memref<512xi32, #tpu.memory_space<hbm>>) target(%arg8 : memref<512xi32, #tpu.memory_space<vmem>>) target_semaphore(%run_scoped3A : memref<!tpu.dma_semaphore, #tpu.memory_space<semaphore_mem>>)
      %dma_wait3A_1215 = tpu.memref_slice %arg4[%mul3A_2] : memref<16384xi32, #tpu.memory_space<hbm>> -> memref<512xi32, #tpu.memory_space<hbm>>
      %dma_wait3A_1216 = tpu.memref_slice %arg4[%mul3A_2] : memref<16384xi32, #tpu.memory_space<hbm>> -> memref<512xi32, #tpu.memory_space<hbm>>
      tpu.wait_dma2 semaphore(%run_scoped3A : memref<!tpu.dma_semaphore, #tpu.memory_space<semaphore_mem>>) src(%dma_wait3A_1216 : memref<512xi32, #tpu.memory_space<hbm>>) dst(%arg8 : memref<512xi32, #tpu.memory_space<vmem>>)
      tpu.yield
    }) : () -> ()
    "tpu.region"() ({
      %run_scoped3A = tpu.sem_alloc : memref<!tpu.dma_semaphore, #tpu.memory_space<semaphore_mem>>
      %dma_start3A_1213 = tpu.memref_slice %arg5[%mul3A_2] : memref<16384xi32, #tpu.memory_space<hbm>> -> memref<512xi32, #tpu.memory_space<hbm>>
      %dma_start3A_1214 = tpu.memref_slice %arg5[%mul3A_2] : memref<16384xi32, #tpu.memory_space<hbm>> -> memref<512xi32, #tpu.memory_space<hbm>>
      tpu.enqueue_dma source(%dma_start3A_1214 : memref<512xi32, #tpu.memory_space<hbm>>) target(%arg9 : memref<512xi32, #tpu.memory_space<vmem>>) target_semaphore(%run_scoped3A : memref<!tpu.dma_semaphore, #tpu.memory_space<semaphore_mem>>)
      %dma_wait3A_1215 = tpu.memref_slice %arg5[%mul3A_2] : memref<16384xi32, #tpu.memory_space<hbm>> -> memref<512xi32, #tpu.memory_space<hbm>>
      %dma_wait3A_1216 = tpu.memref_slice %arg5[%mul3A_2] : memref<16384xi32, #tpu.memory_space<hbm>> -> memref<512xi32, #tpu.memory_space<hbm>>
      tpu.wait_dma2 semaphore(%run_scoped3A : memref<!tpu.dma_semaphore, #tpu.memory_space<semaphore_mem>>) src(%dma_wait3A_1216 : memref<512xi32, #tpu.memory_space<hbm>>) dst(%arg9 : memref<512xi32, #tpu.memory_space<vmem>>)
      tpu.yield
    }) : () -> ()
    %get3A = arith.constant 0 : index
    %get3A_3 = tpu.vector_load %arg8[%get3A] {strides = array<i32>} : memref<512xi32, #tpu.memory_space<vmem>>, vector<16xi32>,
    %get3A_4 = vector.shape_cast %get3A_3 : vector<16xi32> to vector<16xi32>
    %shift_right_logical3A = arith.constant 15 : i32
    %shift_right_logical3A_5 = vector.broadcast %shift_right_logical3A : i32 to vector<16xi32>
    %shift_right_logical3A_6 = arith.shrui %get3A_4, %shift_right_logical3A_5 : vector<16xi32>
    %mul3A_7 = arith.constant 8192 : i32
    %mul3A_8 = vector.broadcast %mul3A_7 : i32 to vector<16xi32>
    %mul3A_9 = arith.muli %shift_right_logical3A_6, %mul3A_8 : vector<16xi32>
    %and3A = arith.constant 8191 : i32
    %and3A_10 = vector.broadcast %and3A : i32 to vector<16xi32>
    %and3A_11 = arith.andi %get3A_4, %and3A_10 : vector<16xi32>
    %add3A_12 = arith.addi %mul3A_9, %and3A_11 : vector<16xi32>
    %swap3A = arith.constant 0 : index
    %swap3A_13 = tpu.vector_load %arg10[%swap3A] {strides = array<i32>} : memref<512xi32, #tpu.memory_space<vmem>>, vector<16xi32>,
    %swap3A_14 = vector.shape_cast %swap3A_13 : vector<16xi32> to vector<16xi32>
    %swap3A_15 = vector.shape_cast %add3A_12 : vector<16xi32> to vector<16xi32>
    tpu.vector_store %arg10[%swap3A], %swap3A_15 {strides = array<i32>} : memref<512xi32, #tpu.memory_space<vmem>>, vector<16xi32>,
    %get3A_16 = arith.constant 16 : index
    %get3A_17 = tpu.vector_load %arg8[%get3A_16] {strides = array<i32>} : memref<512xi32, #tpu.memory_space<vmem>>, vector<16xi32>,
    %get3A_18 = vector.shape_cast %get3A_17 : vector<16xi32> to vector<16xi32>
    %shift_right_logical3A_19 = arith.constant 15 : i32
    %shift_right_logical3A_20 = vector.broadcast %shift_right_logical3A_19 : i32 to vector<16xi32>
    %shift_right_logical3A_21 = arith.shrui %get3A_18, %shift_right_logical3A_20 : vector<16xi32>
    %mul3A_22 = arith.constant 8192 : i32
    %mul3A_23 = vector.broadcast %mul3A_22 : i32 to vector<16xi32>
    %mul3A_24 = arith.muli %shift_right_logical3A_21, %mul3A_23 : vector<16xi32>
    %and3A_25 = arith.constant 8191 : i32
    %and3A_26 = vector.broadcast %and3A_25 : i32 to vector<16xi32>
    %and3A_27 = arith.andi %get3A_18, %and3A_26 : vector<16xi32>
    %add3A_28 = arith.addi %mul3A_24, %and3A_27 : vector<16xi32>
    %swap3A_29 = arith.constant 16 : index
    %swap3A_30 = tpu.vector_load %arg10[%swap3A_29] {strides = array<i32>} : memref<512xi32, #tpu.memory_space<vmem>>, vector<16xi32>,
    %swap3A_31 = vector.shape_cast %swap3A_30 : vector<16xi32> to vector<16xi32>
    %swap3A_32 = vector.shape_cast %add3A_28 : vector<16xi32> to vector<16xi32>
    tpu.vector_store %arg10[%swap3A_29], %swap3A_32 {strides = array<i32>} : memref<512xi32, #tpu.memory_space<vmem>>, vector<16xi32>,
    %get3A_33 = arith.constant 32 : index
    %get3A_34 = tpu.vector_load %arg8[%get3A_33] {strides = array<i32>} : memref<512xi32, #tpu.memory_space<vmem>>, vector<16xi32>,
    %get3A_35 = vector.shape_cast %get3A_34 : vector<16xi32> to vector<16xi32>
    %shift_right_logical3A_36 = arith.constant 15 : i32
    %shift_right_logical3A_37 = vector.broadcast %shift_right_logical3A_36 : i32 to vector<16xi32>
    %shift_right_logical3A_38 = arith.shrui %get3A_35, %shift_right_logical3A_37 : vector<16xi32>
    %mul3A_39 = arith.constant 8192 : i32
    %mul3A_40 = vector.broadcast %mul3A_39 : i32 to vector<16xi32>
    %mul3A_41 = arith.muli %shift_right_logical3A_38, %mul3A_40 : vector<16xi32>
    %and3A_42 = arith.constant 8191 : i32
    %and3A_43 = vector.broadcast %and3A_42 : i32 to vector<16xi32>
    %and3A_44 = arith.andi %get3A_35, %and3A_43 : vector<16xi32>
    %add3A_45 = arith.addi %mul3A_41, %and3A_44 : vector<16xi32>
    %swap3A_46 = arith.constant 32 : index
    %swap3A_47 = tpu.vector_load %arg10[%swap3A_46] {strides = array<i32>} : memref<512xi32, #tpu.memory_space<vmem>>, vector<16xi32>,
    %swap3A_48 = vector.shape_cast %swap3A_47 : vector<16xi32> to vector<16xi32>
    %swap3A_49 = vector.shape_cast %add3A_45 : vector<16xi32> to vector<16xi32>
    tpu.vector_store %arg10[%swap3A_46], %swap3A_49 {strides = array<i32>} : memref<512xi32, #tpu.memory_space<vmem>>, vector<16xi32>,
    %get3A_50 = arith.constant 48 : index
    %get3A_51 = tpu.vector_load %arg8[%get3A_50] {strides = array<i32>} : memref<512xi32, #tpu.memory_space<vmem>>, vector<16xi32>,
    %get3A_52 = vector.shape_cast %get3A_51 : vector<16xi32> to vector<16xi32>
    %shift_right_logical3A_53 = arith.constant 15 : i32
    %shift_right_logical3A_54 = vector.broadcast %shift_right_logical3A_53 : i32 to vector<16xi32>
    %shift_right_logical3A_55 = arith.shrui %get3A_52, %shift_right_logical3A_54 : vector<16xi32>
    %mul3A_56 = arith.constant 8192 : i32
    %mul3A_57 = vector.broadcast %mul3A_56 : i32 to vector<16xi32>
    %mul3A_58 = arith.muli %shift_right_logical3A_55, %mul3A_57 : vector<16xi32>
    %and3A_59 = arith.constant 8191 : i32
    %and3A_60 = vector.broadcast %and3A_59 : i32 to vector<16xi32>
    %and3A_61 = arith.andi %get3A_52, %and3A_60 : vector<16xi32>
    %add3A_62 = arith.addi %mul3A_58, %and3A_61 : vector<16xi32>
    %swap3A_63 = arith.constant 48 : index
    %swap3A_64 = tpu.vector_load %arg10[%swap3A_63] {strides = array<i32>} : memref<512xi32, #tpu.memory_space<vmem>>, vector<16xi32>,
    %swap3A_65 = vector.shape_cast %swap3A_64 : vector<16xi32> to vector<16xi32>
    %swap3A_66 = vector.shape_cast %add3A_62 : vector<16xi32> to vector<16xi32>
    tpu.vector_store %arg10[%swap3A_63], %swap3A_66 {strides = array<i32>} : memref<512xi32, #tpu.memory_space<vmem>>, vector<16xi32>,
    %get3A_67 = arith.constant 64 : index
    %get3A_68 = tpu.vector_load %arg8[%get3A_67] {strides = array<i32>} : memref<512xi32, #tpu.memory_space<vmem>>, vector<16xi32>,
    %get3A_69 = vector.shape_cast %get3A_68 : vector<16xi32> to vector<16xi32>
    %shift_right_logical3A_70 = arith.constant 15 : i32
    %shift_right_logical3A_71 = vector.broadcast %shift_right_logical3A_70 : i32 to vector<16xi32>
    %shift_right_logical3A_72 = arith.shrui %get3A_69, %shift_right_logical3A_71 : vector<16xi32>
    %mul3A_73 = arith.constant 8192 : i32
    %mul3A_74 = vector.broadcast %mul3A_73 : i32 to vector<16xi32>
    %mul3A_75 = arith.muli %shift_right_logical3A_72, %mul3A_74 : vector<16xi32>
    %and3A_76 = arith.constant 8191 : i32
    %and3A_77 = vector.broadcast %and3A_76 : i32 to vector<16xi32>
    %and3A_78 = arith.andi %get3A_69, %and3A_77 : vector<16xi32>
    %add3A_79 = arith.addi %mul3A_75, %and3A_78 : vector<16xi32>
    %swap3A_80 = arith.constant 64 : index
    %swap3A_81 = tpu.vector_load %arg10[%swap3A_80] {strides = array<i32>} : memref<512xi32, #tpu.memory_space<vmem>>, vector<16xi32>,
    %swap3A_82 = vector.shape_cast %swap3A_81 : vector<16xi32> to vector<16xi32>
    %swap3A_83 = vector.shape_cast %add3A_79 : vector<16xi32> to vector<16xi32>
    tpu.vector_store %arg10[%swap3A_80], %swap3A_83 {strides = array<i32>} : memref<512xi32, #tpu.memory_space<vmem>>, vector<16xi32>,
    %get3A_84 = arith.constant 80 : index
    %get3A_85 = tpu.vector_load %arg8[%get3A_84] {strides = array<i32>} : memref<512xi32, #tpu.memory_space<vmem>>, vector<16xi32>,
    %get3A_86 = vector.shape_cast %get3A_85 : vector<16xi32> to vector<16xi32>
    %shift_right_logical3A_87 = arith.constant 15 : i32
    %shift_right_logical3A_88 = vector.broadcast %shift_right_logical3A_87 : i32 to vector<16xi32>
    %shift_right_logical3A_89 = arith.shrui %get3A_86, %shift_right_logical3A_88 : vector<16xi32>
    %mul3A_90 = arith.constant 8192 : i32
    %mul3A_91 = vector.broadcast %mul3A_90 : i32 to vector<16xi32>
    %mul3A_92 = arith.muli %shift_right_logical3A_89, %mul3A_91 : vector<16xi32>
    %and3A_93 = arith.constant 8191 : i32
    %and3A_94 = vector.broadcast %and3A_93 : i32 to vector<16xi32>
    %and3A_95 = arith.andi %get3A_86, %and3A_94 : vector<16xi32>
    %add3A_96 = arith.addi %mul3A_92, %and3A_95 : vector<16xi32>
    %swap3A_97 = arith.constant 80 : index
    %swap3A_98 = tpu.vector_load %arg10[%swap3A_97] {strides = array<i32>} : memref<512xi32, #tpu.memory_space<vmem>>, vector<16xi32>,
    %swap3A_99 = vector.shape_cast %swap3A_98 : vector<16xi32> to vector<16xi32>
    %swap3A_100 = vector.shape_cast %add3A_96 : vector<16xi32> to vector<16xi32>
    tpu.vector_store %arg10[%swap3A_97], %swap3A_100 {strides = array<i32>} : memref<512xi32, #tpu.memory_space<vmem>>, vector<16xi32>,
    %get3A_101 = arith.constant 96 : index
    %get3A_102 = tpu.vector_load %arg8[%get3A_101] {strides = array<i32>} : memref<512xi32, #tpu.memory_space<vmem>>, vector<16xi32>,
    %get3A_103 = vector.shape_cast %get3A_102 : vector<16xi32> to vector<16xi32>
    %shift_right_logical3A_104 = arith.constant 15 : i32
    %shift_right_logical3A_105 = vector.broadcast %shift_right_logical3A_104 : i32 to vector<16xi32>
    %shift_right_logical3A_106 = arith.shrui %get3A_103, %shift_right_logical3A_105 : vector<16xi32>
    %mul3A_107 = arith.constant 8192 : i32
    %mul3A_108 = vector.broadcast %mul3A_107 : i32 to vector<16xi32>
    %mul3A_109 = arith.muli %shift_right_logical3A_106, %mul3A_108 : vector<16xi32>
    %and3A_110 = arith.constant 8191 : i32
    %and3A_111 = vector.broadcast %and3A_110 : i32 to vector<16xi32>
    %and3A_112 = arith.andi %get3A_103, %and3A_111 : vector<16xi32>
    %add3A_113 = arith.addi %mul3A_109, %and3A_112 : vector<16xi32>
    %swap3A_114 = arith.constant 96 : index
    %swap3A_115 = tpu.vector_load %arg10[%swap3A_114] {strides = array<i32>} : memref<512xi32, #tpu.memory_space<vmem>>, vector<16xi32>,
    %swap3A_116 = vector.shape_cast %swap3A_115 : vector<16xi32> to vector<16xi32>
    %swap3A_117 = vector.shape_cast %add3A_113 : vector<16xi32> to vector<16xi32>
    tpu.vector_store %arg10[%swap3A_114], %swap3A_117 {strides = array<i32>} : memref<512xi32, #tpu.memory_space<vmem>>, vector<16xi32>,
    %get3A_118 = arith.constant 112 : index
    %get3A_119 = tpu.vector_load %arg8[%get3A_118] {strides = array<i32>} : memref<512xi32, #tpu.memory_space<vmem>>, vector<16xi32>,
    %get3A_120 = vector.shape_cast %get3A_119 : vector<16xi32> to vector<16xi32>
    %shift_right_logical3A_121 = arith.constant 15 : i32
    %shift_right_logical3A_122 = vector.broadcast %shift_right_logical3A_121 : i32 to vector<16xi32>
    %shift_right_logical3A_123 = arith.shrui %get3A_120, %shift_right_logical3A_122 : vector<16xi32>
    %mul3A_124 = arith.constant 8192 : i32
    %mul3A_125 = vector.broadcast %mul3A_124 : i32 to vector<16xi32>
    %mul3A_126 = arith.muli %shift_right_logical3A_123, %mul3A_125 : vector<16xi32>
    %and3A_127 = arith.constant 8191 : i32
    %and3A_128 = vector.broadcast %and3A_127 : i32 to vector<16xi32>
    %and3A_129 = arith.andi %get3A_120, %and3A_128 : vector<16xi32>
    %add3A_130 = arith.addi %mul3A_126, %and3A_129 : vector<16xi32>
    %swap3A_131 = arith.constant 112 : index
    %swap3A_132 = tpu.vector_load %arg10[%swap3A_131] {strides = array<i32>} : memref<512xi32, #tpu.memory_space<vmem>>, vector<16xi32>,
    %swap3A_133 = vector.shape_cast %swap3A_132 : vector<16xi32> to vector<16xi32>
    %swap3A_134 = vector.shape_cast %add3A_130 : vector<16xi32> to vector<16xi32>
    tpu.vector_store %arg10[%swap3A_131], %swap3A_134 {strides = array<i32>} : memref<512xi32, #tpu.memory_space<vmem>>, vector<16xi32>,
    %get3A_135 = arith.constant 128 : index
    %get3A_136 = tpu.vector_load %arg8[%get3A_135] {strides = array<i32>} : memref<512xi32, #tpu.memory_space<vmem>>, vector<16xi32>,
    %get3A_137 = vector.shape_cast %get3A_136 : vector<16xi32> to vector<16xi32>
    %shift_right_logical3A_138 = arith.constant 15 : i32
    %shift_right_logical3A_139 = vector.broadcast %shift_right_logical3A_138 : i32 to vector<16xi32>
    %shift_right_logical3A_140 = arith.shrui %get3A_137, %shift_right_logical3A_139 : vector<16xi32>
    %mul3A_141 = arith.constant 8192 : i32
    %mul3A_142 = vector.broadcast %mul3A_141 : i32 to vector<16xi32>
    %mul3A_143 = arith.muli %shift_right_logical3A_140, %mul3A_142 : vector<16xi32>
    %and3A_144 = arith.constant 8191 : i32
    %and3A_145 = vector.broadcast %and3A_144 : i32 to vector<16xi32>
    %and3A_146 = arith.andi %get3A_137, %and3A_145 : vector<16xi32>
    %add3A_147 = arith.addi %mul3A_143, %and3A_146 : vector<16xi32>
    %swap3A_148 = arith.constant 128 : index
    %swap3A_149 = tpu.vector_load %arg10[%swap3A_148] {strides = array<i32>} : memref<512xi32, #tpu.memory_space<vmem>>, vector<16xi32>,
    %swap3A_150 = vector.shape_cast %swap3A_149 : vector<16xi32> to vector<16xi32>
    %swap3A_151 = vector.shape_cast %add3A_147 : vector<16xi32> to vector<16xi32>
    tpu.vector_store %arg10[%swap3A_148], %swap3A_151 {strides = array<i32>} : memref<512xi32, #tpu.memory_space<vmem>>, vector<16xi32>,
    %get3A_152 = arith.constant 144 : index
    %get3A_153 = tpu.vector_load %arg8[%get3A_152] {strides = array<i32>} : memref<512xi32, #tpu.memory_space<vmem>>, vector<16xi32>,
    %get3A_154 = vector.shape_cast %get3A_153 : vector<16xi32> to vector<16xi32>
    %shift_right_logical3A_155 = arith.constant 15 : i32
    %shift_right_logical3A_156 = vector.broadcast %shift_right_logical3A_155 : i32 to vector<16xi32>
    %shift_right_logical3A_157 = arith.shrui %get3A_154, %shift_right_logical3A_156 : vector<16xi32>
    %mul3A_158 = arith.constant 8192 : i32
    %mul3A_159 = vector.broadcast %mul3A_158 : i32 to vector<16xi32>
    %mul3A_160 = arith.muli %shift_right_logical3A_157, %mul3A_159 : vector<16xi32>
    %and3A_161 = arith.constant 8191 : i32
    %and3A_162 = vector.broadcast %and3A_161 : i32 to vector<16xi32>
    %and3A_163 = arith.andi %get3A_154, %and3A_162 : vector<16xi32>
    %add3A_164 = arith.addi %mul3A_160, %and3A_163 : vector<16xi32>
    %swap3A_165 = arith.constant 144 : index
    %swap3A_166 = tpu.vector_load %arg10[%swap3A_165] {strides = array<i32>} : memref<512xi32, #tpu.memory_space<vmem>>, vector<16xi32>,
    %swap3A_167 = vector.shape_cast %swap3A_166 : vector<16xi32> to vector<16xi32>
    %swap3A_168 = vector.shape_cast %add3A_164 : vector<16xi32> to vector<16xi32>
    tpu.vector_store %arg10[%swap3A_165], %swap3A_168 {strides = array<i32>} : memref<512xi32, #tpu.memory_space<vmem>>, vector<16xi32>,
    %get3A_169 = arith.constant 160 : index
    %get3A_170 = tpu.vector_load %arg8[%get3A_169] {strides = array<i32>} : memref<512xi32, #tpu.memory_space<vmem>>, vector<16xi32>,
    %get3A_171 = vector.shape_cast %get3A_170 : vector<16xi32> to vector<16xi32>
    %shift_right_logical3A_172 = arith.constant 15 : i32
    %shift_right_logical3A_173 = vector.broadcast %shift_right_logical3A_172 : i32 to vector<16xi32>
    %shift_right_logical3A_174 = arith.shrui %get3A_171, %shift_right_logical3A_173 : vector<16xi32>
    %mul3A_175 = arith.constant 8192 : i32
    %mul3A_176 = vector.broadcast %mul3A_175 : i32 to vector<16xi32>
    %mul3A_177 = arith.muli %shift_right_logical3A_174, %mul3A_176 : vector<16xi32>
    %and3A_178 = arith.constant 8191 : i32
    %and3A_179 = vector.broadcast %and3A_178 : i32 to vector<16xi32>
    %and3A_180 = arith.andi %get3A_171, %and3A_179 : vector<16xi32>
    %add3A_181 = arith.addi %mul3A_177, %and3A_180 : vector<16xi32>
    %swap3A_182 = arith.constant 160 : index
    %swap3A_183 = tpu.vector_load %arg10[%swap3A_182] {strides = array<i32>} : memref<512xi32, #tpu.memory_space<vmem>>, vector<16xi32>,
    %swap3A_184 = vector.shape_cast %swap3A_183 : vector<16xi32> to vector<16xi32>
    %swap3A_185 = vector.shape_cast %add3A_181 : vector<16xi32> to vector<16xi32>
    tpu.vector_store %arg10[%swap3A_182], %swap3A_185 {strides = array<i32>} : memref<512xi32, #tpu.memory_space<vmem>>, vector<16xi32>,
    %get3A_186 = arith.constant 176 : index
    %get3A_187 = tpu.vector_load %arg8[%get3A_186] {strides = array<i32>} : memref<512xi32, #tpu.memory_space<vmem>>, vector<16xi32>,
    %get3A_188 = vector.shape_cast %get3A_187 : vector<16xi32> to vector<16xi32>
    %shift_right_logical3A_189 = arith.constant 15 : i32
    %shift_right_logical3A_190 = vector.broadcast %shift_right_logical3A_189 : i32 to vector<16xi32>
    %shift_right_logical3A_191 = arith.shrui %get3A_188, %shift_right_logical3A_190 : vector<16xi32>
    %mul3A_192 = arith.constant 8192 : i32
    %mul3A_193 = vector.broadcast %mul3A_192 : i32 to vector<16xi32>
    %mul3A_194 = arith.muli %shift_right_logical3A_191, %mul3A_193 : vector<16xi32>
    %and3A_195 = arith.constant 8191 : i32
    %and3A_196 = vector.broadcast %and3A_195 : i32 to vector<16xi32>
    %and3A_197 = arith.andi %get3A_188, %and3A_196 : vector<16xi32>
    %add3A_198 = arith.addi %mul3A_194, %and3A_197 : vector<16xi32>
    %swap3A_199 = arith.constant 176 : index
    %swap3A_200 = tpu.vector_load %arg10[%swap3A_199] {strides = array<i32>} : memref<512xi32, #tpu.memory_space<vmem>>, vector<16xi32>,
    %swap3A_201 = vector.shape_cast %swap3A_200 : vector<16xi32> to vector<16xi32>
    %swap3A_202 = vector.shape_cast %add3A_198 : vector<16xi32> to vector<16xi32>
    tpu.vector_store %arg10[%swap3A_199], %swap3A_202 {strides = array<i32>} : memref<512xi32, #tpu.memory_space<vmem>>, vector<16xi32>,
    %get3A_203 = arith.constant 192 : index
    %get3A_204 = tpu.vector_load %arg8[%get3A_203] {strides = array<i32>} : memref<512xi32, #tpu.memory_space<vmem>>, vector<16xi32>,
    %get3A_205 = vector.shape_cast %get3A_204 : vector<16xi32> to vector<16xi32>
    %shift_right_logical3A_206 = arith.constant 15 : i32
    %shift_right_logical3A_207 = vector.broadcast %shift_right_logical3A_206 : i32 to vector<16xi32>
    %shift_right_logical3A_208 = arith.shrui %get3A_205, %shift_right_logical3A_207 : vector<16xi32>
    %mul3A_209 = arith.constant 8192 : i32
    %mul3A_210 = vector.broadcast %mul3A_209 : i32 to vector<16xi32>
    %mul3A_211 = arith.muli %shift_right_logical3A_208, %mul3A_210 : vector<16xi32>
    %and3A_212 = arith.constant 8191 : i32
    %and3A_213 = vector.broadcast %and3A_212 : i32 to vector<16xi32>
    %and3A_214 = arith.andi %get3A_205, %and3A_213 : vector<16xi32>
    %add3A_215 = arith.addi %mul3A_211, %and3A_214 : vector<16xi32>
    %swap3A_216 = arith.constant 192 : index
    %swap3A_217 = tpu.vector_load %arg10[%swap3A_216] {strides = array<i32>} : memref<512xi32, #tpu.memory_space<vmem>>, vector<16xi32>,
    %swap3A_218 = vector.shape_cast %swap3A_217 : vector<16xi32> to vector<16xi32>
    %swap3A_219 = vector.shape_cast %add3A_215 : vector<16xi32> to vector<16xi32>
    tpu.vector_store %arg10[%swap3A_216], %swap3A_219 {strides = array<i32>} : memref<512xi32, #tpu.memory_space<vmem>>, vector<16xi32>,
    %get3A_220 = arith.constant 208 : index
    %get3A_221 = tpu.vector_load %arg8[%get3A_220] {strides = array<i32>} : memref<512xi32, #tpu.memory_space<vmem>>, vector<16xi32>,
    %get3A_222 = vector.shape_cast %get3A_221 : vector<16xi32> to vector<16xi32>
    %shift_right_logical3A_223 = arith.constant 15 : i32
    %shift_right_logical3A_224 = vector.broadcast %shift_right_logical3A_223 : i32 to vector<16xi32>
    %shift_right_logical3A_225 = arith.shrui %get3A_222, %shift_right_logical3A_224 : vector<16xi32>
    %mul3A_226 = arith.constant 8192 : i32
    %mul3A_227 = vector.broadcast %mul3A_226 : i32 to vector<16xi32>
    %mul3A_228 = arith.muli %shift_right_logical3A_225, %mul3A_227 : vector<16xi32>
    %and3A_229 = arith.constant 8191 : i32
    %and3A_230 = vector.broadcast %and3A_229 : i32 to vector<16xi32>
    %and3A_231 = arith.andi %get3A_222, %and3A_230 : vector<16xi32>
    %add3A_232 = arith.addi %mul3A_228, %and3A_231 : vector<16xi32>
    %swap3A_233 = arith.constant 208 : index
    %swap3A_234 = tpu.vector_load %arg10[%swap3A_233] {strides = array<i32>} : memref<512xi32, #tpu.memory_space<vmem>>, vector<16xi32>,
    %swap3A_235 = vector.shape_cast %swap3A_234 : vector<16xi32> to vector<16xi32>
    %swap3A_236 = vector.shape_cast %add3A_232 : vector<16xi32> to vector<16xi32>
    tpu.vector_store %arg10[%swap3A_233], %swap3A_236 {strides = array<i32>} : memref<512xi32, #tpu.memory_space<vmem>>, vector<16xi32>,
    %get3A_237 = arith.constant 224 : index
    %get3A_238 = tpu.vector_load %arg8[%get3A_237] {strides = array<i32>} : memref<512xi32, #tpu.memory_space<vmem>>, vector<16xi32>,
    %get3A_239 = vector.shape_cast %get3A_238 : vector<16xi32> to vector<16xi32>
    %shift_right_logical3A_240 = arith.constant 15 : i32
    %shift_right_logical3A_241 = vector.broadcast %shift_right_logical3A_240 : i32 to vector<16xi32>
    %shift_right_logical3A_242 = arith.shrui %get3A_239, %shift_right_logical3A_241 : vector<16xi32>
    %mul3A_243 = arith.constant 8192 : i32
    %mul3A_244 = vector.broadcast %mul3A_243 : i32 to vector<16xi32>
    %mul3A_245 = arith.muli %shift_right_logical3A_242, %mul3A_244 : vector<16xi32>
    %and3A_246 = arith.constant 8191 : i32
    %and3A_247 = vector.broadcast %and3A_246 : i32 to vector<16xi32>
    %and3A_248 = arith.andi %get3A_239, %and3A_247 : vector<16xi32>
    %add3A_249 = arith.addi %mul3A_245, %and3A_248 : vector<16xi32>
    %swap3A_250 = arith.constant 224 : index
    %swap3A_251 = tpu.vector_load %arg10[%swap3A_250] {strides = array<i32>} : memref<512xi32, #tpu.memory_space<vmem>>, vector<16xi32>,
    %swap3A_252 = vector.shape_cast %swap3A_251 : vector<16xi32> to vector<16xi32>
    %swap3A_253 = vector.shape_cast %add3A_249 : vector<16xi32> to vector<16xi32>
    tpu.vector_store %arg10[%swap3A_250], %swap3A_253 {strides = array<i32>} : memref<512xi32, #tpu.memory_space<vmem>>, vector<16xi32>,
    %get3A_254 = arith.constant 240 : index
    %get3A_255 = tpu.vector_load %arg8[%get3A_254] {strides = array<i32>} : memref<512xi32, #tpu.memory_space<vmem>>, vector<16xi32>,
    %get3A_256 = vector.shape_cast %get3A_255 : vector<16xi32> to vector<16xi32>
    %shift_right_logical3A_257 = arith.constant 15 : i32
    %shift_right_logical3A_258 = vector.broadcast %shift_right_logical3A_257 : i32 to vector<16xi32>
    %shift_right_logical3A_259 = arith.shrui %get3A_256, %shift_right_logical3A_258 : vector<16xi32>
    %mul3A_260 = arith.constant 8192 : i32
    %mul3A_261 = vector.broadcast %mul3A_260 : i32 to vector<16xi32>
    %mul3A_262 = arith.muli %shift_right_logical3A_259, %mul3A_261 : vector<16xi32>
    %and3A_263 = arith.constant 8191 : i32
    %and3A_264 = vector.broadcast %and3A_263 : i32 to vector<16xi32>
    %and3A_265 = arith.andi %get3A_256, %and3A_264 : vector<16xi32>
    %add3A_266 = arith.addi %mul3A_262, %and3A_265 : vector<16xi32>
    %swap3A_267 = arith.constant 240 : index
    %swap3A_268 = tpu.vector_load %arg10[%swap3A_267] {strides = array<i32>} : memref<512xi32, #tpu.memory_space<vmem>>, vector<16xi32>,
    %swap3A_269 = vector.shape_cast %swap3A_268 : vector<16xi32> to vector<16xi32>
    %swap3A_270 = vector.shape_cast %add3A_266 : vector<16xi32> to vector<16xi32>
    tpu.vector_store %arg10[%swap3A_267], %swap3A_270 {strides = array<i32>} : memref<512xi32, #tpu.memory_space<vmem>>, vector<16xi32>,
    %get3A_271 = arith.constant 256 : index
    %get3A_272 = tpu.vector_load %arg8[%get3A_271] {strides = array<i32>} : memref<512xi32, #tpu.memory_space<vmem>>, vector<16xi32>,
    %get3A_273 = vector.shape_cast %get3A_272 : vector<16xi32> to vector<16xi32>
    %shift_right_logical3A_274 = arith.constant 15 : i32
    %shift_right_logical3A_275 = vector.broadcast %shift_right_logical3A_274 : i32 to vector<16xi32>
    %shift_right_logical3A_276 = arith.shrui %get3A_273, %shift_right_logical3A_275 : vector<16xi32>
    %mul3A_277 = arith.constant 8192 : i32
    %mul3A_278 = vector.broadcast %mul3A_277 : i32 to vector<16xi32>
    %mul3A_279 = arith.muli %shift_right_logical3A_276, %mul3A_278 : vector<16xi32>
    %and3A_280 = arith.constant 8191 : i32
    %and3A_281 = vector.broadcast %and3A_280 : i32 to vector<16xi32>
    %and3A_282 = arith.andi %get3A_273, %and3A_281 : vector<16xi32>
    %add3A_283 = arith.addi %mul3A_279, %and3A_282 : vector<16xi32>
    %swap3A_284 = arith.constant 256 : index
    %swap3A_285 = tpu.vector_load %arg10[%swap3A_284] {strides = array<i32>} : memref<512xi32, #tpu.memory_space<vmem>>, vector<16xi32>,
    %swap3A_286 = vector.shape_cast %swap3A_285 : vector<16xi32> to vector<16xi32>
    %swap3A_287 = vector.shape_cast %add3A_283 : vector<16xi32> to vector<16xi32>
    tpu.vector_store %arg10[%swap3A_284], %swap3A_287 {strides = array<i32>} : memref<512xi32, #tpu.memory_space<vmem>>, vector<16xi32>,
    %get3A_288 = arith.constant 272 : index
    %get3A_289 = tpu.vector_load %arg8[%get3A_288] {strides = array<i32>} : memref<512xi32, #tpu.memory_space<vmem>>, vector<16xi32>,
    %get3A_290 = vector.shape_cast %get3A_289 : vector<16xi32> to vector<16xi32>
    %shift_right_logical3A_291 = arith.constant 15 : i32
    %shift_right_logical3A_292 = vector.broadcast %shift_right_logical3A_291 : i32 to vector<16xi32>
    %shift_right_logical3A_293 = arith.shrui %get3A_290, %shift_right_logical3A_292 : vector<16xi32>
    %mul3A_294 = arith.constant 8192 : i32
    %mul3A_295 = vector.broadcast %mul3A_294 : i32 to vector<16xi32>
    %mul3A_296 = arith.muli %shift_right_logical3A_293, %mul3A_295 : vector<16xi32>
    %and3A_297 = arith.constant 8191 : i32
    %and3A_298 = vector.broadcast %and3A_297 : i32 to vector<16xi32>
    %and3A_299 = arith.andi %get3A_290, %and3A_298 : vector<16xi32>
    %add3A_300 = arith.addi %mul3A_296, %and3A_299 : vector<16xi32>
    %swap3A_301 = arith.constant 272 : index
    %swap3A_302 = tpu.vector_load %arg10[%swap3A_301] {strides = array<i32>} : memref<512xi32, #tpu.memory_space<vmem>>, vector<16xi32>,
    %swap3A_303 = vector.shape_cast %swap3A_302 : vector<16xi32> to vector<16xi32>
    %swap3A_304 = vector.shape_cast %add3A_300 : vector<16xi32> to vector<16xi32>
    tpu.vector_store %arg10[%swap3A_301], %swap3A_304 {strides = array<i32>} : memref<512xi32, #tpu.memory_space<vmem>>, vector<16xi32>,
    %get3A_305 = arith.constant 288 : index
    %get3A_306 = tpu.vector_load %arg8[%get3A_305] {strides = array<i32>} : memref<512xi32, #tpu.memory_space<vmem>>, vector<16xi32>,
    %get3A_307 = vector.shape_cast %get3A_306 : vector<16xi32> to vector<16xi32>
    %shift_right_logical3A_308 = arith.constant 15 : i32
    %shift_right_logical3A_309 = vector.broadcast %shift_right_logical3A_308 : i32 to vector<16xi32>
    %shift_right_logical3A_310 = arith.shrui %get3A_307, %shift_right_logical3A_309 : vector<16xi32>
    %mul3A_311 = arith.constant 8192 : i32
    %mul3A_312 = vector.broadcast %mul3A_311 : i32 to vector<16xi32>
    %mul3A_313 = arith.muli %shift_right_logical3A_310, %mul3A_312 : vector<16xi32>
    %and3A_314 = arith.constant 8191 : i32
    %and3A_315 = vector.broadcast %and3A_314 : i32 to vector<16xi32>
    %and3A_316 = arith.andi %get3A_307, %and3A_315 : vector<16xi32>
    %add3A_317 = arith.addi %mul3A_313, %and3A_316 : vector<16xi32>
    %swap3A_318 = arith.constant 288 : index
    %swap3A_319 = tpu.vector_load %arg10[%swap3A_318] {strides = array<i32>} : memref<512xi32, #tpu.memory_space<vmem>>, vector<16xi32>,
    %swap3A_320 = vector.shape_cast %swap3A_319 : vector<16xi32> to vector<16xi32>
    %swap3A_321 = vector.shape_cast %add3A_317 : vector<16xi32> to vector<16xi32>
    tpu.vector_store %arg10[%swap3A_318], %swap3A_321 {strides = array<i32>} : memref<512xi32, #tpu.memory_space<vmem>>, vector<16xi32>,
    %get3A_322 = arith.constant 304 : index
    %get3A_323 = tpu.vector_load %arg8[%get3A_322] {strides = array<i32>} : memref<512xi32, #tpu.memory_space<vmem>>, vector<16xi32>,
    %get3A_324 = vector.shape_cast %get3A_323 : vector<16xi32> to vector<16xi32>
    %shift_right_logical3A_325 = arith.constant 15 : i32
    %shift_right_logical3A_326 = vector.broadcast %shift_right_logical3A_325 : i32 to vector<16xi32>
    %shift_right_logical3A_327 = arith.shrui %get3A_324, %shift_right_logical3A_326 : vector<16xi32>
    %mul3A_328 = arith.constant 8192 : i32
    %mul3A_329 = vector.broadcast %mul3A_328 : i32 to vector<16xi32>
    %mul3A_330 = arith.muli %shift_right_logical3A_327, %mul3A_329 : vector<16xi32>
    %and3A_331 = arith.constant 8191 : i32
    %and3A_332 = vector.broadcast %and3A_331 : i32 to vector<16xi32>
    %and3A_333 = arith.andi %get3A_324, %and3A_332 : vector<16xi32>
    %add3A_334 = arith.addi %mul3A_330, %and3A_333 : vector<16xi32>
    %swap3A_335 = arith.constant 304 : index
    %swap3A_336 = tpu.vector_load %arg10[%swap3A_335] {strides = array<i32>} : memref<512xi32, #tpu.memory_space<vmem>>, vector<16xi32>,
    %swap3A_337 = vector.shape_cast %swap3A_336 : vector<16xi32> to vector<16xi32>
    %swap3A_338 = vector.shape_cast %add3A_334 : vector<16xi32> to vector<16xi32>
    tpu.vector_store %arg10[%swap3A_335], %swap3A_338 {strides = array<i32>} : memref<512xi32, #tpu.memory_space<vmem>>, vector<16xi32>,
    %get3A_339 = arith.constant 320 : index
    %get3A_340 = tpu.vector_load %arg8[%get3A_339] {strides = array<i32>} : memref<512xi32, #tpu.memory_space<vmem>>, vector<16xi32>,
    %get3A_341 = vector.shape_cast %get3A_340 : vector<16xi32> to vector<16xi32>
    %shift_right_logical3A_342 = arith.constant 15 : i32
    %shift_right_logical3A_343 = vector.broadcast %shift_right_logical3A_342 : i32 to vector<16xi32>
    %shift_right_logical3A_344 = arith.shrui %get3A_341, %shift_right_logical3A_343 : vector<16xi32>
    %mul3A_345 = arith.constant 8192 : i32
    %mul3A_346 = vector.broadcast %mul3A_345 : i32 to vector<16xi32>
    %mul3A_347 = arith.muli %shift_right_logical3A_344, %mul3A_346 : vector<16xi32>
    %and3A_348 = arith.constant 8191 : i32
    %and3A_349 = vector.broadcast %and3A_348 : i32 to vector<16xi32>
    %and3A_350 = arith.andi %get3A_341, %and3A_349 : vector<16xi32>
    %add3A_351 = arith.addi %mul3A_347, %and3A_350 : vector<16xi32>
    %swap3A_352 = arith.constant 320 : index
    %swap3A_353 = tpu.vector_load %arg10[%swap3A_352] {strides = array<i32>} : memref<512xi32, #tpu.memory_space<vmem>>, vector<16xi32>,
    %swap3A_354 = vector.shape_cast %swap3A_353 : vector<16xi32> to vector<16xi32>
    %swap3A_355 = vector.shape_cast %add3A_351 : vector<16xi32> to vector<16xi32>
    tpu.vector_store %arg10[%swap3A_352], %swap3A_355 {strides = array<i32>} : memref<512xi32, #tpu.memory_space<vmem>>, vector<16xi32>,
    %get3A_356 = arith.constant 336 : index
    %get3A_357 = tpu.vector_load %arg8[%get3A_356] {strides = array<i32>} : memref<512xi32, #tpu.memory_space<vmem>>, vector<16xi32>,
    %get3A_358 = vector.shape_cast %get3A_357 : vector<16xi32> to vector<16xi32>
    %shift_right_logical3A_359 = arith.constant 15 : i32
    %shift_right_logical3A_360 = vector.broadcast %shift_right_logical3A_359 : i32 to vector<16xi32>
    %shift_right_logical3A_361 = arith.shrui %get3A_358, %shift_right_logical3A_360 : vector<16xi32>
    %mul3A_362 = arith.constant 8192 : i32
    %mul3A_363 = vector.broadcast %mul3A_362 : i32 to vector<16xi32>
    %mul3A_364 = arith.muli %shift_right_logical3A_361, %mul3A_363 : vector<16xi32>
    %and3A_365 = arith.constant 8191 : i32
    %and3A_366 = vector.broadcast %and3A_365 : i32 to vector<16xi32>
    %and3A_367 = arith.andi %get3A_358, %and3A_366 : vector<16xi32>
    %add3A_368 = arith.addi %mul3A_364, %and3A_367 : vector<16xi32>
    %swap3A_369 = arith.constant 336 : index
    %swap3A_370 = tpu.vector_load %arg10[%swap3A_369] {strides = array<i32>} : memref<512xi32, #tpu.memory_space<vmem>>, vector<16xi32>,
    %swap3A_371 = vector.shape_cast %swap3A_370 : vector<16xi32> to vector<16xi32>
    %swap3A_372 = vector.shape_cast %add3A_368 : vector<16xi32> to vector<16xi32>
    tpu.vector_store %arg10[%swap3A_369], %swap3A_372 {strides = array<i32>} : memref<512xi32, #tpu.memory_space<vmem>>, vector<16xi32>,
    %get3A_373 = arith.constant 352 : index
    %get3A_374 = tpu.vector_load %arg8[%get3A_373] {strides = array<i32>} : memref<512xi32, #tpu.memory_space<vmem>>, vector<16xi32>,
    %get3A_375 = vector.shape_cast %get3A_374 : vector<16xi32> to vector<16xi32>
    %shift_right_logical3A_376 = arith.constant 15 : i32
    %shift_right_logical3A_377 = vector.broadcast %shift_right_logical3A_376 : i32 to vector<16xi32>
    %shift_right_logical3A_378 = arith.shrui %get3A_375, %shift_right_logical3A_377 : vector<16xi32>
    %mul3A_379 = arith.constant 8192 : i32
    %mul3A_380 = vector.broadcast %mul3A_379 : i32 to vector<16xi32>
    %mul3A_381 = arith.muli %shift_right_logical3A_378, %mul3A_380 : vector<16xi32>
    %and3A_382 = arith.constant 8191 : i32
    %and3A_383 = vector.broadcast %and3A_382 : i32 to vector<16xi32>
    %and3A_384 = arith.andi %get3A_375, %and3A_383 : vector<16xi32>
    %add3A_385 = arith.addi %mul3A_381, %and3A_384 : vector<16xi32>
    %swap3A_386 = arith.constant 352 : index
    %swap3A_387 = tpu.vector_load %arg10[%swap3A_386] {strides = array<i32>} : memref<512xi32, #tpu.memory_space<vmem>>, vector<16xi32>,
    %swap3A_388 = vector.shape_cast %swap3A_387 : vector<16xi32> to vector<16xi32>
    %swap3A_389 = vector.shape_cast %add3A_385 : vector<16xi32> to vector<16xi32>
    tpu.vector_store %arg10[%swap3A_386], %swap3A_389 {strides = array<i32>} : memref<512xi32, #tpu.memory_space<vmem>>, vector<16xi32>,
    %get3A_390 = arith.constant 368 : index
    %get3A_391 = tpu.vector_load %arg8[%get3A_390] {strides = array<i32>} : memref<512xi32, #tpu.memory_space<vmem>>, vector<16xi32>,
    %get3A_392 = vector.shape_cast %get3A_391 : vector<16xi32> to vector<16xi32>
    %shift_right_logical3A_393 = arith.constant 15 : i32
    %shift_right_logical3A_394 = vector.broadcast %shift_right_logical3A_393 : i32 to vector<16xi32>
    %shift_right_logical3A_395 = arith.shrui %get3A_392, %shift_right_logical3A_394 : vector<16xi32>
    %mul3A_396 = arith.constant 8192 : i32
    %mul3A_397 = vector.broadcast %mul3A_396 : i32 to vector<16xi32>
    %mul3A_398 = arith.muli %shift_right_logical3A_395, %mul3A_397 : vector<16xi32>
    %and3A_399 = arith.constant 8191 : i32
    %and3A_400 = vector.broadcast %and3A_399 : i32 to vector<16xi32>
    %and3A_401 = arith.andi %get3A_392, %and3A_400 : vector<16xi32>
    %add3A_402 = arith.addi %mul3A_398, %and3A_401 : vector<16xi32>
    %swap3A_403 = arith.constant 368 : index
    %swap3A_404 = tpu.vector_load %arg10[%swap3A_403] {strides = array<i32>} : memref<512xi32, #tpu.memory_space<vmem>>, vector<16xi32>,
    %swap3A_405 = vector.shape_cast %swap3A_404 : vector<16xi32> to vector<16xi32>
    %swap3A_406 = vector.shape_cast %add3A_402 : vector<16xi32> to vector<16xi32>
    tpu.vector_store %arg10[%swap3A_403], %swap3A_406 {strides = array<i32>} : memref<512xi32, #tpu.memory_space<vmem>>, vector<16xi32>,
    %get3A_407 = arith.constant 384 : index
    %get3A_408 = tpu.vector_load %arg8[%get3A_407] {strides = array<i32>} : memref<512xi32, #tpu.memory_space<vmem>>, vector<16xi32>,
    %get3A_409 = vector.shape_cast %get3A_408 : vector<16xi32> to vector<16xi32>
    %shift_right_logical3A_410 = arith.constant 15 : i32
    %shift_right_logical3A_411 = vector.broadcast %shift_right_logical3A_410 : i32 to vector<16xi32>
    %shift_right_logical3A_412 = arith.shrui %get3A_409, %shift_right_logical3A_411 : vector<16xi32>
    %mul3A_413 = arith.constant 8192 : i32
    %mul3A_414 = vector.broadcast %mul3A_413 : i32 to vector<16xi32>
    %mul3A_415 = arith.muli %shift_right_logical3A_412, %mul3A_414 : vector<16xi32>
    %and3A_416 = arith.constant 8191 : i32
    %and3A_417 = vector.broadcast %and3A_416 : i32 to vector<16xi32>
    %and3A_418 = arith.andi %get3A_409, %and3A_417 : vector<16xi32>
    %add3A_419 = arith.addi %mul3A_415, %and3A_418 : vector<16xi32>
    %swap3A_420 = arith.constant 384 : index
    %swap3A_421 = tpu.vector_load %arg10[%swap3A_420] {strides = array<i32>} : memref<512xi32, #tpu.memory_space<vmem>>, vector<16xi32>,
    %swap3A_422 = vector.shape_cast %swap3A_421 : vector<16xi32> to vector<16xi32>
    %swap3A_423 = vector.shape_cast %add3A_419 : vector<16xi32> to vector<16xi32>
    tpu.vector_store %arg10[%swap3A_420], %swap3A_423 {strides = array<i32>} : memref<512xi32, #tpu.memory_space<vmem>>, vector<16xi32>,
    %get3A_424 = arith.constant 400 : index
    %get3A_425 = tpu.vector_load %arg8[%get3A_424] {strides = array<i32>} : memref<512xi32, #tpu.memory_space<vmem>>, vector<16xi32>,
    %get3A_426 = vector.shape_cast %get3A_425 : vector<16xi32> to vector<16xi32>
    %shift_right_logical3A_427 = arith.constant 15 : i32
    %shift_right_logical3A_428 = vector.broadcast %shift_right_logical3A_427 : i32 to vector<16xi32>
    %shift_right_logical3A_429 = arith.shrui %get3A_426, %shift_right_logical3A_428 : vector<16xi32>
    %mul3A_430 = arith.constant 8192 : i32
    %mul3A_431 = vector.broadcast %mul3A_430 : i32 to vector<16xi32>
    %mul3A_432 = arith.muli %shift_right_logical3A_429, %mul3A_431 : vector<16xi32>
    %and3A_433 = arith.constant 8191 : i32
    %and3A_434 = vector.broadcast %and3A_433 : i32 to vector<16xi32>
    %and3A_435 = arith.andi %get3A_426, %and3A_434 : vector<16xi32>
    %add3A_436 = arith.addi %mul3A_432, %and3A_435 : vector<16xi32>
    %swap3A_437 = arith.constant 400 : index
    %swap3A_438 = tpu.vector_load %arg10[%swap3A_437] {strides = array<i32>} : memref<512xi32, #tpu.memory_space<vmem>>, vector<16xi32>,
    %swap3A_439 = vector.shape_cast %swap3A_438 : vector<16xi32> to vector<16xi32>
    %swap3A_440 = vector.shape_cast %add3A_436 : vector<16xi32> to vector<16xi32>
    tpu.vector_store %arg10[%swap3A_437], %swap3A_440 {strides = array<i32>} : memref<512xi32, #tpu.memory_space<vmem>>, vector<16xi32>,
    %get3A_441 = arith.constant 416 : index
    %get3A_442 = tpu.vector_load %arg8[%get3A_441] {strides = array<i32>} : memref<512xi32, #tpu.memory_space<vmem>>, vector<16xi32>,
    %get3A_443 = vector.shape_cast %get3A_442 : vector<16xi32> to vector<16xi32>
    %shift_right_logical3A_444 = arith.constant 15 : i32
    %shift_right_logical3A_445 = vector.broadcast %shift_right_logical3A_444 : i32 to vector<16xi32>
    %shift_right_logical3A_446 = arith.shrui %get3A_443, %shift_right_logical3A_445 : vector<16xi32>
    %mul3A_447 = arith.constant 8192 : i32
    %mul3A_448 = vector.broadcast %mul3A_447 : i32 to vector<16xi32>
    %mul3A_449 = arith.muli %shift_right_logical3A_446, %mul3A_448 : vector<16xi32>
    %and3A_450 = arith.constant 8191 : i32
    %and3A_451 = vector.broadcast %and3A_450 : i32 to vector<16xi32>
    %and3A_452 = arith.andi %get3A_443, %and3A_451 : vector<16xi32>
    %add3A_453 = arith.addi %mul3A_449, %and3A_452 : vector<16xi32>
    %swap3A_454 = arith.constant 416 : index
    %swap3A_455 = tpu.vector_load %arg10[%swap3A_454] {strides = array<i32>} : memref<512xi32, #tpu.memory_space<vmem>>, vector<16xi32>,
    %swap3A_456 = vector.shape_cast %swap3A_455 : vector<16xi32> to vector<16xi32>
    %swap3A_457 = vector.shape_cast %add3A_453 : vector<16xi32> to vector<16xi32>
    tpu.vector_store %arg10[%swap3A_454], %swap3A_457 {strides = array<i32>} : memref<512xi32, #tpu.memory_space<vmem>>, vector<16xi32>,
    %get3A_458 = arith.constant 432 : index
    %get3A_459 = tpu.vector_load %arg8[%get3A_458] {strides = array<i32>} : memref<512xi32, #tpu.memory_space<vmem>>, vector<16xi32>,
    %get3A_460 = vector.shape_cast %get3A_459 : vector<16xi32> to vector<16xi32>
    %shift_right_logical3A_461 = arith.constant 15 : i32
    %shift_right_logical3A_462 = vector.broadcast %shift_right_logical3A_461 : i32 to vector<16xi32>
    %shift_right_logical3A_463 = arith.shrui %get3A_460, %shift_right_logical3A_462 : vector<16xi32>
    %mul3A_464 = arith.constant 8192 : i32
    %mul3A_465 = vector.broadcast %mul3A_464 : i32 to vector<16xi32>
    %mul3A_466 = arith.muli %shift_right_logical3A_463, %mul3A_465 : vector<16xi32>
    %and3A_467 = arith.constant 8191 : i32
    %and3A_468 = vector.broadcast %and3A_467 : i32 to vector<16xi32>
    %and3A_469 = arith.andi %get3A_460, %and3A_468 : vector<16xi32>
    %add3A_470 = arith.addi %mul3A_466, %and3A_469 : vector<16xi32>
    %swap3A_471 = arith.constant 432 : index
    %swap3A_472 = tpu.vector_load %arg10[%swap3A_471] {strides = array<i32>} : memref<512xi32, #tpu.memory_space<vmem>>, vector<16xi32>,
    %swap3A_473 = vector.shape_cast %swap3A_472 : vector<16xi32> to vector<16xi32>
    %swap3A_474 = vector.shape_cast %add3A_470 : vector<16xi32> to vector<16xi32>
    tpu.vector_store %arg10[%swap3A_471], %swap3A_474 {strides = array<i32>} : memref<512xi32, #tpu.memory_space<vmem>>, vector<16xi32>,
    %get3A_475 = arith.constant 448 : index
    %get3A_476 = tpu.vector_load %arg8[%get3A_475] {strides = array<i32>} : memref<512xi32, #tpu.memory_space<vmem>>, vector<16xi32>,
    %get3A_477 = vector.shape_cast %get3A_476 : vector<16xi32> to vector<16xi32>
    %shift_right_logical3A_478 = arith.constant 15 : i32
    %shift_right_logical3A_479 = vector.broadcast %shift_right_logical3A_478 : i32 to vector<16xi32>
    %shift_right_logical3A_480 = arith.shrui %get3A_477, %shift_right_logical3A_479 : vector<16xi32>
    %mul3A_481 = arith.constant 8192 : i32
    %mul3A_482 = vector.broadcast %mul3A_481 : i32 to vector<16xi32>
    %mul3A_483 = arith.muli %shift_right_logical3A_480, %mul3A_482 : vector<16xi32>
    %and3A_484 = arith.constant 8191 : i32
    %and3A_485 = vector.broadcast %and3A_484 : i32 to vector<16xi32>
    %and3A_486 = arith.andi %get3A_477, %and3A_485 : vector<16xi32>
    %add3A_487 = arith.addi %mul3A_483, %and3A_486 : vector<16xi32>
    %swap3A_488 = arith.constant 448 : index
    %swap3A_489 = tpu.vector_load %arg10[%swap3A_488] {strides = array<i32>} : memref<512xi32, #tpu.memory_space<vmem>>, vector<16xi32>,
    %swap3A_490 = vector.shape_cast %swap3A_489 : vector<16xi32> to vector<16xi32>
    %swap3A_491 = vector.shape_cast %add3A_487 : vector<16xi32> to vector<16xi32>
    tpu.vector_store %arg10[%swap3A_488], %swap3A_491 {strides = array<i32>} : memref<512xi32, #tpu.memory_space<vmem>>, vector<16xi32>,
    %get3A_492 = arith.constant 464 : index
    %get3A_493 = tpu.vector_load %arg8[%get3A_492] {strides = array<i32>} : memref<512xi32, #tpu.memory_space<vmem>>, vector<16xi32>,
    %get3A_494 = vector.shape_cast %get3A_493 : vector<16xi32> to vector<16xi32>
    %shift_right_logical3A_495 = arith.constant 15 : i32
    %shift_right_logical3A_496 = vector.broadcast %shift_right_logical3A_495 : i32 to vector<16xi32>
    %shift_right_logical3A_497 = arith.shrui %get3A_494, %shift_right_logical3A_496 : vector<16xi32>
    %mul3A_498 = arith.constant 8192 : i32
    %mul3A_499 = vector.broadcast %mul3A_498 : i32 to vector<16xi32>
    %mul3A_500 = arith.muli %shift_right_logical3A_497, %mul3A_499 : vector<16xi32>
    %and3A_501 = arith.constant 8191 : i32
    %and3A_502 = vector.broadcast %and3A_501 : i32 to vector<16xi32>
    %and3A_503 = arith.andi %get3A_494, %and3A_502 : vector<16xi32>
    %add3A_504 = arith.addi %mul3A_500, %and3A_503 : vector<16xi32>
    %swap3A_505 = arith.constant 464 : index
    %swap3A_506 = tpu.vector_load %arg10[%swap3A_505] {strides = array<i32>} : memref<512xi32, #tpu.memory_space<vmem>>, vector<16xi32>,
    %swap3A_507 = vector.shape_cast %swap3A_506 : vector<16xi32> to vector<16xi32>
    %swap3A_508 = vector.shape_cast %add3A_504 : vector<16xi32> to vector<16xi32>
    tpu.vector_store %arg10[%swap3A_505], %swap3A_508 {strides = array<i32>} : memref<512xi32, #tpu.memory_space<vmem>>, vector<16xi32>,
    %get3A_509 = arith.constant 480 : index
    %get3A_510 = tpu.vector_load %arg8[%get3A_509] {strides = array<i32>} : memref<512xi32, #tpu.memory_space<vmem>>, vector<16xi32>,
    %get3A_511 = vector.shape_cast %get3A_510 : vector<16xi32> to vector<16xi32>
    %shift_right_logical3A_512 = arith.constant 15 : i32
    %shift_right_logical3A_513 = vector.broadcast %shift_right_logical3A_512 : i32 to vector<16xi32>
    %shift_right_logical3A_514 = arith.shrui %get3A_511, %shift_right_logical3A_513 : vector<16xi32>
    %mul3A_515 = arith.constant 8192 : i32
    %mul3A_516 = vector.broadcast %mul3A_515 : i32 to vector<16xi32>
    %mul3A_517 = arith.muli %shift_right_logical3A_514, %mul3A_516 : vector<16xi32>
    %and3A_518 = arith.constant 8191 : i32
    %and3A_519 = vector.broadcast %and3A_518 : i32 to vector<16xi32>
    %and3A_520 = arith.andi %get3A_511, %and3A_519 : vector<16xi32>
    %add3A_521 = arith.addi %mul3A_517, %and3A_520 : vector<16xi32>
    %swap3A_522 = arith.constant 480 : index
    %swap3A_523 = tpu.vector_load %arg10[%swap3A_522] {strides = array<i32>} : memref<512xi32, #tpu.memory_space<vmem>>, vector<16xi32>,
    %swap3A_524 = vector.shape_cast %swap3A_523 : vector<16xi32> to vector<16xi32>
    %swap3A_525 = vector.shape_cast %add3A_521 : vector<16xi32> to vector<16xi32>
    tpu.vector_store %arg10[%swap3A_522], %swap3A_525 {strides = array<i32>} : memref<512xi32, #tpu.memory_space<vmem>>, vector<16xi32>,
    %get3A_526 = arith.constant 496 : index
    %get3A_527 = tpu.vector_load %arg8[%get3A_526] {strides = array<i32>} : memref<512xi32, #tpu.memory_space<vmem>>, vector<16xi32>,
    %get3A_528 = vector.shape_cast %get3A_527 : vector<16xi32> to vector<16xi32>
    %shift_right_logical3A_529 = arith.constant 15 : i32
    %shift_right_logical3A_530 = vector.broadcast %shift_right_logical3A_529 : i32 to vector<16xi32>
    %shift_right_logical3A_531 = arith.shrui %get3A_528, %shift_right_logical3A_530 : vector<16xi32>
    %mul3A_532 = arith.constant 8192 : i32
    %mul3A_533 = vector.broadcast %mul3A_532 : i32 to vector<16xi32>
    %mul3A_534 = arith.muli %shift_right_logical3A_531, %mul3A_533 : vector<16xi32>
    %and3A_535 = arith.constant 8191 : i32
    %and3A_536 = vector.broadcast %and3A_535 : i32 to vector<16xi32>
    %and3A_537 = arith.andi %get3A_528, %and3A_536 : vector<16xi32>
    %add3A_538 = arith.addi %mul3A_534, %and3A_537 : vector<16xi32>
    %swap3A_539 = arith.constant 496 : index
    %swap3A_540 = tpu.vector_load %arg10[%swap3A_539] {strides = array<i32>} : memref<512xi32, #tpu.memory_space<vmem>>, vector<16xi32>,
    %swap3A_541 = vector.shape_cast %swap3A_540 : vector<16xi32> to vector<16xi32>
    %swap3A_542 = vector.shape_cast %add3A_538 : vector<16xi32> to vector<16xi32>
    tpu.vector_store %arg10[%swap3A_539], %swap3A_542 {strides = array<i32>} : memref<512xi32, #tpu.memory_space<vmem>>, vector<16xi32>,
    %dma_start3A = arith.constant 0 : i32
    %dma_start3A_543 = arith.constant 0 : i32
    %dma_start3A_544 = tpu.memref_slice %arg11[%dma_start3A, %dma_start3A_543] : memref<512x128xf32, #tpu.memory_space<vmem>> -> memref<128x128xf32, #tpu.memory_space<vmem>>
    %dma_start3A_545 = arith.constant 0 : i32
    %dma_start3A_546 = tpu.memref_slice %arg10[%dma_start3A_545] : memref<512xi32, #tpu.memory_space<vmem>> -> memref<128xi32, #tpu.memory_space<vmem>>
    %dma_start3A_547 = arith.constant 0 : i32
    %dma_start3A_548 = arith.constant 0 : i32
    %dma_start3A_549 = tpu.memref_slice %arg2[%dma_start3A_547, %dma_start3A_548] : memref<253952x128xf32, #tpu.memory_space<hbm>> -> memref<253952x128xf32, #tpu.memory_space<hbm>>
    tpu.enqueue_indirect_dma source(%dma_start3A_549 : memref<253952x128xf32, #tpu.memory_space<hbm>>) target(%dma_start3A_544 : memref<128x128xf32, #tpu.memory_space<vmem>>) offsets(%dma_start3A_546 : memref<128xi32, #tpu.memory_space<vmem>>) semaphore(%arg12 : memref<!tpu.dma_semaphore, #tpu.memory_space<semaphore_mem>>)
    %dma_start3A_550 = arith.constant 128 : i32
    %dma_start3A_551 = arith.constant 0 : i32
    %dma_start3A_552 = tpu.memref_slice %arg11[%dma_start3A_550, %dma_start3A_551] : memref<512x128xf32, #tpu.memory_space<vmem>> -> memref<128x128xf32, #tpu.memory_space<vmem>>
    %dma_start3A_553 = arith.constant 128 : i32
    %dma_start3A_554 = tpu.memref_slice %arg10[%dma_start3A_553] : memref<512xi32, #tpu.memory_space<vmem>> -> memref<128xi32, #tpu.memory_space<vmem>>
    %dma_start3A_555 = arith.constant 0 : i32
    %dma_start3A_556 = arith.constant 0 : i32
    %dma_start3A_557 = tpu.memref_slice %arg2[%dma_start3A_555, %dma_start3A_556] : memref<253952x128xf32, #tpu.memory_space<hbm>> -> memref<253952x128xf32, #tpu.memory_space<hbm>>
    tpu.enqueue_indirect_dma source(%dma_start3A_557 : memref<253952x128xf32, #tpu.memory_space<hbm>>) target(%dma_start3A_552 : memref<128x128xf32, #tpu.memory_space<vmem>>) offsets(%dma_start3A_554 : memref<128xi32, #tpu.memory_space<vmem>>) semaphore(%arg12 : memref<!tpu.dma_semaphore, #tpu.memory_space<semaphore_mem>>)
    %dma_start3A_558 = arith.constant 256 : i32
    %dma_start3A_559 = arith.constant 0 : i32
    %dma_start3A_560 = tpu.memref_slice %arg11[%dma_start3A_558, %dma_start3A_559] : memref<512x128xf32, #tpu.memory_space<vmem>> -> memref<128x128xf32, #tpu.memory_space<vmem>>
    %dma_start3A_561 = arith.constant 256 : i32
    %dma_start3A_562 = tpu.memref_slice %arg10[%dma_start3A_561] : memref<512xi32, #tpu.memory_space<vmem>> -> memref<128xi32, #tpu.memory_space<vmem>>
    %dma_start3A_563 = arith.constant 0 : i32
    %dma_start3A_564 = arith.constant 0 : i32
    %dma_start3A_565 = tpu.memref_slice %arg2[%dma_start3A_563, %dma_start3A_564] : memref<253952x128xf32, #tpu.memory_space<hbm>> -> memref<253952x128xf32, #tpu.memory_space<hbm>>
    tpu.enqueue_indirect_dma source(%dma_start3A_565 : memref<253952x128xf32, #tpu.memory_space<hbm>>) target(%dma_start3A_560 : memref<128x128xf32, #tpu.memory_space<vmem>>) offsets(%dma_start3A_562 : memref<128xi32, #tpu.memory_space<vmem>>) semaphore(%arg12 : memref<!tpu.dma_semaphore, #tpu.memory_space<semaphore_mem>>)
    %dma_start3A_566 = arith.constant 384 : i32
    %dma_start3A_567 = arith.constant 0 : i32
    %dma_start3A_568 = tpu.memref_slice %arg11[%dma_start3A_566, %dma_start3A_567] : memref<512x128xf32, #tpu.memory_space<vmem>> -> memref<128x128xf32, #tpu.memory_space<vmem>>
    %dma_start3A_569 = arith.constant 384 : i32
    %dma_start3A_570 = tpu.memref_slice %arg10[%dma_start3A_569] : memref<512xi32, #tpu.memory_space<vmem>> -> memref<128xi32, #tpu.memory_space<vmem>>
    %dma_start3A_571 = arith.constant 0 : i32
    %dma_start3A_572 = arith.constant 0 : i32
    %dma_start3A_573 = tpu.memref_slice %arg2[%dma_start3A_571, %dma_start3A_572] : memref<253952x128xf32, #tpu.memory_space<hbm>> -> memref<253952x128xf32, #tpu.memory_space<hbm>>
    tpu.enqueue_indirect_dma source(%dma_start3A_573 : memref<253952x128xf32, #tpu.memory_space<hbm>>) target(%dma_start3A_568 : memref<128x128xf32, #tpu.memory_space<vmem>>) offsets(%dma_start3A_570 : memref<128xi32, #tpu.memory_space<vmem>>) semaphore(%arg12 : memref<!tpu.dma_semaphore, #tpu.memory_space<semaphore_mem>>)
    %dma_wait3A = arith.constant 0 : i32
    %dma_wait3A_574 = arith.constant 0 : i32
    %dma_wait3A_575 = tpu.memref_slice %arg11[%dma_wait3A, %dma_wait3A_574] : memref<512x128xf32, #tpu.memory_space<vmem>> -> memref<128x128xf32, #tpu.memory_space<vmem>>
    %dma_wait3A_576 = arith.constant 0 : i32
    %dma_wait3A_577 = tpu.memref_slice %arg10[%dma_wait3A_576] : memref<512xi32, #tpu.memory_space<vmem>> -> memref<128xi32, #tpu.memory_space<vmem>>
    %dma_wait3A_578 = arith.constant 0 : i32
    %dma_wait3A_579 = arith.constant 0 : i32
    %dma_wait3A_580 = tpu.memref_slice %arg2[%dma_wait3A_578, %dma_wait3A_579] : memref<253952x128xf32, #tpu.memory_space<hbm>> -> memref<253952x128xf32, #tpu.memory_space<hbm>>
    tpu.wait_indirect_dma semaphore(%arg12 : memref<!tpu.dma_semaphore, #tpu.memory_space<semaphore_mem>>) src(%dma_wait3A_580 : memref<253952x128xf32, #tpu.memory_space<hbm>>) dst(%dma_wait3A_575 : memref<128x128xf32, #tpu.memory_space<vmem>>)
    %dma_wait3A_581 = arith.constant 128 : i32
    %dma_wait3A_582 = arith.constant 0 : i32
    %dma_wait3A_583 = tpu.memref_slice %arg11[%dma_wait3A_581, %dma_wait3A_582] : memref<512x128xf32, #tpu.memory_space<vmem>> -> memref<128x128xf32, #tpu.memory_space<vmem>>
    %dma_wait3A_584 = arith.constant 128 : i32
    %dma_wait3A_585 = tpu.memref_slice %arg10[%dma_wait3A_584] : memref<512xi32, #tpu.memory_space<vmem>> -> memref<128xi32, #tpu.memory_space<vmem>>
    %dma_wait3A_586 = arith.constant 0 : i32
    %dma_wait3A_587 = arith.constant 0 : i32
    %dma_wait3A_588 = tpu.memref_slice %arg2[%dma_wait3A_586, %dma_wait3A_587] : memref<253952x128xf32, #tpu.memory_space<hbm>> -> memref<253952x128xf32, #tpu.memory_space<hbm>>
    tpu.wait_indirect_dma semaphore(%arg12 : memref<!tpu.dma_semaphore, #tpu.memory_space<semaphore_mem>>) src(%dma_wait3A_588 : memref<253952x128xf32, #tpu.memory_space<hbm>>) dst(%dma_wait3A_583 : memref<128x128xf32, #tpu.memory_space<vmem>>)
    %dma_wait3A_589 = arith.constant 256 : i32
    %dma_wait3A_590 = arith.constant 0 : i32
    %dma_wait3A_591 = tpu.memref_slice %arg11[%dma_wait3A_589, %dma_wait3A_590] : memref<512x128xf32, #tpu.memory_space<vmem>> -> memref<128x128xf32, #tpu.memory_space<vmem>>
    %dma_wait3A_592 = arith.constant 256 : i32
    %dma_wait3A_593 = tpu.memref_slice %arg10[%dma_wait3A_592] : memref<512xi32, #tpu.memory_space<vmem>> -> memref<128xi32, #tpu.memory_space<vmem>>
    %dma_wait3A_594 = arith.constant 0 : i32
    %dma_wait3A_595 = arith.constant 0 : i32
    %dma_wait3A_596 = tpu.memref_slice %arg2[%dma_wait3A_594, %dma_wait3A_595] : memref<253952x128xf32, #tpu.memory_space<hbm>> -> memref<253952x128xf32, #tpu.memory_space<hbm>>
    tpu.wait_indirect_dma semaphore(%arg12 : memref<!tpu.dma_semaphore, #tpu.memory_space<semaphore_mem>>) src(%dma_wait3A_596 : memref<253952x128xf32, #tpu.memory_space<hbm>>) dst(%dma_wait3A_591 : memref<128x128xf32, #tpu.memory_space<vmem>>)
    %dma_wait3A_597 = arith.constant 384 : i32
    %dma_wait3A_598 = arith.constant 0 : i32
    %dma_wait3A_599 = tpu.memref_slice %arg11[%dma_wait3A_597, %dma_wait3A_598] : memref<512x128xf32, #tpu.memory_space<vmem>> -> memref<128x128xf32, #tpu.memory_space<vmem>>
    %dma_wait3A_600 = arith.constant 384 : i32
    %dma_wait3A_601 = tpu.memref_slice %arg10[%dma_wait3A_600] : memref<512xi32, #tpu.memory_space<vmem>> -> memref<128xi32, #tpu.memory_space<vmem>>
    %dma_wait3A_602 = arith.constant 0 : i32
    %dma_wait3A_603 = arith.constant 0 : i32
    %dma_wait3A_604 = tpu.memref_slice %arg2[%dma_wait3A_602, %dma_wait3A_603] : memref<253952x128xf32, #tpu.memory_space<hbm>> -> memref<253952x128xf32, #tpu.memory_space<hbm>>
    tpu.wait_indirect_dma semaphore(%arg12 : memref<!tpu.dma_semaphore, #tpu.memory_space<semaphore_mem>>) src(%dma_wait3A_604 : memref<253952x128xf32, #tpu.memory_space<hbm>>) dst(%dma_wait3A_599 : memref<128x128xf32, #tpu.memory_space<vmem>>)
    "tpu.region"() ({
      %run_scoped3A = tpu.sem_alloc : memref<!tpu.dma_semaphore, #tpu.memory_space<semaphore_mem>>
      %dma_start3A_1213 = arith.constant 0 : i32
      %dma_start3A_1214 = tpu.memref_slice %arg6[%mul3A_2, %dma_start3A_1213] : memref<16384x128xf32, #tpu.memory_space<hbm>> -> memref<512x128xf32, #tpu.memory_space<hbm>>
      %dma_start3A_1215 = arith.constant 0 : i32
      %dma_start3A_1216 = tpu.memref_slice %arg6[%mul3A_2, %dma_start3A_1215] : memref<16384x128xf32, #tpu.memory_space<hbm>> -> memref<512x128xf32, #tpu.memory_space<hbm>>
      tpu.enqueue_dma source(%arg11 : memref<512x128xf32, #tpu.memory_space<vmem>>) target(%dma_start3A_1216 : memref<512x128xf32, #tpu.memory_space<hbm>>) target_semaphore(%run_scoped3A : memref<!tpu.dma_semaphore, #tpu.memory_space<semaphore_mem>>)
      %dma_wait3A_1217 = arith.constant 0 : i32
      %dma_wait3A_1218 = tpu.memref_slice %arg6[%mul3A_2, %dma_wait3A_1217] : memref<16384x128xf32, #tpu.memory_space<hbm>> -> memref<512x128xf32, #tpu.memory_space<hbm>>
      %dma_wait3A_1219 = arith.constant 0 : i32
      %dma_wait3A_1220 = tpu.memref_slice %arg6[%mul3A_2, %dma_wait3A_1219] : memref<16384x128xf32, #tpu.memory_space<hbm>> -> memref<512x128xf32, #tpu.memory_space<hbm>>
      tpu.wait_dma2 semaphore(%run_scoped3A : memref<!tpu.dma_semaphore, #tpu.memory_space<semaphore_mem>>) src(%arg11 : memref<512x128xf32, #tpu.memory_space<vmem>>) dst(%dma_wait3A_1220 : memref<512x128xf32, #tpu.memory_space<hbm>>)
      tpu.yield
    }) : () -> ()
    %get3A_605 = arith.constant 0 : index
    %get3A_606 = tpu.vector_load %arg9[%get3A_605] {strides = array<i32>} : memref<512xi32, #tpu.memory_space<vmem>>, vector<16xi32>,
    %get3A_607 = vector.shape_cast %get3A_606 : vector<16xi32> to vector<16xi32>
    %shift_right_logical3A_608 = arith.constant 15 : i32
    %shift_right_logical3A_609 = vector.broadcast %shift_right_logical3A_608 : i32 to vector<16xi32>
    %shift_right_logical3A_610 = arith.shrui %get3A_607, %shift_right_logical3A_609 : vector<16xi32>
    %mul3A_611 = arith.constant 8192 : i32
    %mul3A_612 = vector.broadcast %mul3A_611 : i32 to vector<16xi32>
    %mul3A_613 = arith.muli %shift_right_logical3A_610, %mul3A_612 : vector<16xi32>
    %and3A_614 = arith.constant 8191 : i32
    %and3A_615 = vector.broadcast %and3A_614 : i32 to vector<16xi32>
    %and3A_616 = arith.andi %get3A_607, %and3A_615 : vector<16xi32>
    %add3A_617 = arith.addi %mul3A_613, %and3A_616 : vector<16xi32>
    %swap3A_618 = arith.constant 0 : index
    %swap3A_619 = tpu.vector_load %arg10[%swap3A_618] {strides = array<i32>} : memref<512xi32, #tpu.memory_space<vmem>>, vector<16xi32>,
    %swap3A_620 = vector.shape_cast %swap3A_619 : vector<16xi32> to vector<16xi32>
    %swap3A_621 = vector.shape_cast %add3A_617 : vector<16xi32> to vector<16xi32>
    tpu.vector_store %arg10[%swap3A_618], %swap3A_621 {strides = array<i32>} : memref<512xi32, #tpu.memory_space<vmem>>, vector<16xi32>,
    %get3A_622 = arith.constant 16 : index
    %get3A_623 = tpu.vector_load %arg9[%get3A_622] {strides = array<i32>} : memref<512xi32, #tpu.memory_space<vmem>>, vector<16xi32>,
    %get3A_624 = vector.shape_cast %get3A_623 : vector<16xi32> to vector<16xi32>
    %shift_right_logical3A_625 = arith.constant 15 : i32
    %shift_right_logical3A_626 = vector.broadcast %shift_right_logical3A_625 : i32 to vector<16xi32>
    %shift_right_logical3A_627 = arith.shrui %get3A_624, %shift_right_logical3A_626 : vector<16xi32>
    %mul3A_628 = arith.constant 8192 : i32
    %mul3A_629 = vector.broadcast %mul3A_628 : i32 to vector<16xi32>
    %mul3A_630 = arith.muli %shift_right_logical3A_627, %mul3A_629 : vector<16xi32>
    %and3A_631 = arith.constant 8191 : i32
    %and3A_632 = vector.broadcast %and3A_631 : i32 to vector<16xi32>
    %and3A_633 = arith.andi %get3A_624, %and3A_632 : vector<16xi32>
    %add3A_634 = arith.addi %mul3A_630, %and3A_633 : vector<16xi32>
    %swap3A_635 = arith.constant 16 : index
    %swap3A_636 = tpu.vector_load %arg10[%swap3A_635] {strides = array<i32>} : memref<512xi32, #tpu.memory_space<vmem>>, vector<16xi32>,
    %swap3A_637 = vector.shape_cast %swap3A_636 : vector<16xi32> to vector<16xi32>
    %swap3A_638 = vector.shape_cast %add3A_634 : vector<16xi32> to vector<16xi32>
    tpu.vector_store %arg10[%swap3A_635], %swap3A_638 {strides = array<i32>} : memref<512xi32, #tpu.memory_space<vmem>>, vector<16xi32>,
    %get3A_639 = arith.constant 32 : index
    %get3A_640 = tpu.vector_load %arg9[%get3A_639] {strides = array<i32>} : memref<512xi32, #tpu.memory_space<vmem>>, vector<16xi32>,
    %get3A_641 = vector.shape_cast %get3A_640 : vector<16xi32> to vector<16xi32>
    %shift_right_logical3A_642 = arith.constant 15 : i32
    %shift_right_logical3A_643 = vector.broadcast %shift_right_logical3A_642 : i32 to vector<16xi32>
    %shift_right_logical3A_644 = arith.shrui %get3A_641, %shift_right_logical3A_643 : vector<16xi32>
    %mul3A_645 = arith.constant 8192 : i32
    %mul3A_646 = vector.broadcast %mul3A_645 : i32 to vector<16xi32>
    %mul3A_647 = arith.muli %shift_right_logical3A_644, %mul3A_646 : vector<16xi32>
    %and3A_648 = arith.constant 8191 : i32
    %and3A_649 = vector.broadcast %and3A_648 : i32 to vector<16xi32>
    %and3A_650 = arith.andi %get3A_641, %and3A_649 : vector<16xi32>
    %add3A_651 = arith.addi %mul3A_647, %and3A_650 : vector<16xi32>
    %swap3A_652 = arith.constant 32 : index
    %swap3A_653 = tpu.vector_load %arg10[%swap3A_652] {strides = array<i32>} : memref<512xi32, #tpu.memory_space<vmem>>, vector<16xi32>,
    %swap3A_654 = vector.shape_cast %swap3A_653 : vector<16xi32> to vector<16xi32>
    %swap3A_655 = vector.shape_cast %add3A_651 : vector<16xi32> to vector<16xi32>
    tpu.vector_store %arg10[%swap3A_652], %swap3A_655 {strides = array<i32>} : memref<512xi32, #tpu.memory_space<vmem>>, vector<16xi32>,
    %get3A_656 = arith.constant 48 : index
    %get3A_657 = tpu.vector_load %arg9[%get3A_656] {strides = array<i32>} : memref<512xi32, #tpu.memory_space<vmem>>, vector<16xi32>,
    %get3A_658 = vector.shape_cast %get3A_657 : vector<16xi32> to vector<16xi32>
    %shift_right_logical3A_659 = arith.constant 15 : i32
    %shift_right_logical3A_660 = vector.broadcast %shift_right_logical3A_659 : i32 to vector<16xi32>
    %shift_right_logical3A_661 = arith.shrui %get3A_658, %shift_right_logical3A_660 : vector<16xi32>
    %mul3A_662 = arith.constant 8192 : i32
    %mul3A_663 = vector.broadcast %mul3A_662 : i32 to vector<16xi32>
    %mul3A_664 = arith.muli %shift_right_logical3A_661, %mul3A_663 : vector<16xi32>
    %and3A_665 = arith.constant 8191 : i32
    %and3A_666 = vector.broadcast %and3A_665 : i32 to vector<16xi32>
    %and3A_667 = arith.andi %get3A_658, %and3A_666 : vector<16xi32>
    %add3A_668 = arith.addi %mul3A_664, %and3A_667 : vector<16xi32>
    %swap3A_669 = arith.constant 48 : index
    %swap3A_670 = tpu.vector_load %arg10[%swap3A_669] {strides = array<i32>} : memref<512xi32, #tpu.memory_space<vmem>>, vector<16xi32>,
    %swap3A_671 = vector.shape_cast %swap3A_670 : vector<16xi32> to vector<16xi32>
    %swap3A_672 = vector.shape_cast %add3A_668 : vector<16xi32> to vector<16xi32>
    tpu.vector_store %arg10[%swap3A_669], %swap3A_672 {strides = array<i32>} : memref<512xi32, #tpu.memory_space<vmem>>, vector<16xi32>,
    %get3A_673 = arith.constant 64 : index
    %get3A_674 = tpu.vector_load %arg9[%get3A_673] {strides = array<i32>} : memref<512xi32, #tpu.memory_space<vmem>>, vector<16xi32>,
    %get3A_675 = vector.shape_cast %get3A_674 : vector<16xi32> to vector<16xi32>
    %shift_right_logical3A_676 = arith.constant 15 : i32
    %shift_right_logical3A_677 = vector.broadcast %shift_right_logical3A_676 : i32 to vector<16xi32>
    %shift_right_logical3A_678 = arith.shrui %get3A_675, %shift_right_logical3A_677 : vector<16xi32>
    %mul3A_679 = arith.constant 8192 : i32
    %mul3A_680 = vector.broadcast %mul3A_679 : i32 to vector<16xi32>
    %mul3A_681 = arith.muli %shift_right_logical3A_678, %mul3A_680 : vector<16xi32>
    %and3A_682 = arith.constant 8191 : i32
    %and3A_683 = vector.broadcast %and3A_682 : i32 to vector<16xi32>
    %and3A_684 = arith.andi %get3A_675, %and3A_683 : vector<16xi32>
    %add3A_685 = arith.addi %mul3A_681, %and3A_684 : vector<16xi32>
    %swap3A_686 = arith.constant 64 : index
    %swap3A_687 = tpu.vector_load %arg10[%swap3A_686] {strides = array<i32>} : memref<512xi32, #tpu.memory_space<vmem>>, vector<16xi32>,
    %swap3A_688 = vector.shape_cast %swap3A_687 : vector<16xi32> to vector<16xi32>
    %swap3A_689 = vector.shape_cast %add3A_685 : vector<16xi32> to vector<16xi32>
    tpu.vector_store %arg10[%swap3A_686], %swap3A_689 {strides = array<i32>} : memref<512xi32, #tpu.memory_space<vmem>>, vector<16xi32>,
    %get3A_690 = arith.constant 80 : index
    %get3A_691 = tpu.vector_load %arg9[%get3A_690] {strides = array<i32>} : memref<512xi32, #tpu.memory_space<vmem>>, vector<16xi32>,
    %get3A_692 = vector.shape_cast %get3A_691 : vector<16xi32> to vector<16xi32>
    %shift_right_logical3A_693 = arith.constant 15 : i32
    %shift_right_logical3A_694 = vector.broadcast %shift_right_logical3A_693 : i32 to vector<16xi32>
    %shift_right_logical3A_695 = arith.shrui %get3A_692, %shift_right_logical3A_694 : vector<16xi32>
    %mul3A_696 = arith.constant 8192 : i32
    %mul3A_697 = vector.broadcast %mul3A_696 : i32 to vector<16xi32>
    %mul3A_698 = arith.muli %shift_right_logical3A_695, %mul3A_697 : vector<16xi32>
    %and3A_699 = arith.constant 8191 : i32
    %and3A_700 = vector.broadcast %and3A_699 : i32 to vector<16xi32>
    %and3A_701 = arith.andi %get3A_692, %and3A_700 : vector<16xi32>
    %add3A_702 = arith.addi %mul3A_698, %and3A_701 : vector<16xi32>
    %swap3A_703 = arith.constant 80 : index
    %swap3A_704 = tpu.vector_load %arg10[%swap3A_703] {strides = array<i32>} : memref<512xi32, #tpu.memory_space<vmem>>, vector<16xi32>,
    %swap3A_705 = vector.shape_cast %swap3A_704 : vector<16xi32> to vector<16xi32>
    %swap3A_706 = vector.shape_cast %add3A_702 : vector<16xi32> to vector<16xi32>
    tpu.vector_store %arg10[%swap3A_703], %swap3A_706 {strides = array<i32>} : memref<512xi32, #tpu.memory_space<vmem>>, vector<16xi32>,
    %get3A_707 = arith.constant 96 : index
    %get3A_708 = tpu.vector_load %arg9[%get3A_707] {strides = array<i32>} : memref<512xi32, #tpu.memory_space<vmem>>, vector<16xi32>,
    %get3A_709 = vector.shape_cast %get3A_708 : vector<16xi32> to vector<16xi32>
    %shift_right_logical3A_710 = arith.constant 15 : i32
    %shift_right_logical3A_711 = vector.broadcast %shift_right_logical3A_710 : i32 to vector<16xi32>
    %shift_right_logical3A_712 = arith.shrui %get3A_709, %shift_right_logical3A_711 : vector<16xi32>
    %mul3A_713 = arith.constant 8192 : i32
    %mul3A_714 = vector.broadcast %mul3A_713 : i32 to vector<16xi32>
    %mul3A_715 = arith.muli %shift_right_logical3A_712, %mul3A_714 : vector<16xi32>
    %and3A_716 = arith.constant 8191 : i32
    %and3A_717 = vector.broadcast %and3A_716 : i32 to vector<16xi32>
    %and3A_718 = arith.andi %get3A_709, %and3A_717 : vector<16xi32>
    %add3A_719 = arith.addi %mul3A_715, %and3A_718 : vector<16xi32>
    %swap3A_720 = arith.constant 96 : index
    %swap3A_721 = tpu.vector_load %arg10[%swap3A_720] {strides = array<i32>} : memref<512xi32, #tpu.memory_space<vmem>>, vector<16xi32>,
    %swap3A_722 = vector.shape_cast %swap3A_721 : vector<16xi32> to vector<16xi32>
    %swap3A_723 = vector.shape_cast %add3A_719 : vector<16xi32> to vector<16xi32>
    tpu.vector_store %arg10[%swap3A_720], %swap3A_723 {strides = array<i32>} : memref<512xi32, #tpu.memory_space<vmem>>, vector<16xi32>,
    %get3A_724 = arith.constant 112 : index
    %get3A_725 = tpu.vector_load %arg9[%get3A_724] {strides = array<i32>} : memref<512xi32, #tpu.memory_space<vmem>>, vector<16xi32>,
    %get3A_726 = vector.shape_cast %get3A_725 : vector<16xi32> to vector<16xi32>
    %shift_right_logical3A_727 = arith.constant 15 : i32
    %shift_right_logical3A_728 = vector.broadcast %shift_right_logical3A_727 : i32 to vector<16xi32>
    %shift_right_logical3A_729 = arith.shrui %get3A_726, %shift_right_logical3A_728 : vector<16xi32>
    %mul3A_730 = arith.constant 8192 : i32
    %mul3A_731 = vector.broadcast %mul3A_730 : i32 to vector<16xi32>
    %mul3A_732 = arith.muli %shift_right_logical3A_729, %mul3A_731 : vector<16xi32>
    %and3A_733 = arith.constant 8191 : i32
    %and3A_734 = vector.broadcast %and3A_733 : i32 to vector<16xi32>
    %and3A_735 = arith.andi %get3A_726, %and3A_734 : vector<16xi32>
    %add3A_736 = arith.addi %mul3A_732, %and3A_735 : vector<16xi32>
    %swap3A_737 = arith.constant 112 : index
    %swap3A_738 = tpu.vector_load %arg10[%swap3A_737] {strides = array<i32>} : memref<512xi32, #tpu.memory_space<vmem>>, vector<16xi32>,
    %swap3A_739 = vector.shape_cast %swap3A_738 : vector<16xi32> to vector<16xi32>
    %swap3A_740 = vector.shape_cast %add3A_736 : vector<16xi32> to vector<16xi32>
    tpu.vector_store %arg10[%swap3A_737], %swap3A_740 {strides = array<i32>} : memref<512xi32, #tpu.memory_space<vmem>>, vector<16xi32>,
    %get3A_741 = arith.constant 128 : index
    %get3A_742 = tpu.vector_load %arg9[%get3A_741] {strides = array<i32>} : memref<512xi32, #tpu.memory_space<vmem>>, vector<16xi32>,
    %get3A_743 = vector.shape_cast %get3A_742 : vector<16xi32> to vector<16xi32>
    %shift_right_logical3A_744 = arith.constant 15 : i32
    %shift_right_logical3A_745 = vector.broadcast %shift_right_logical3A_744 : i32 to vector<16xi32>
    %shift_right_logical3A_746 = arith.shrui %get3A_743, %shift_right_logical3A_745 : vector<16xi32>
    %mul3A_747 = arith.constant 8192 : i32
    %mul3A_748 = vector.broadcast %mul3A_747 : i32 to vector<16xi32>
    %mul3A_749 = arith.muli %shift_right_logical3A_746, %mul3A_748 : vector<16xi32>
    %and3A_750 = arith.constant 8191 : i32
    %and3A_751 = vector.broadcast %and3A_750 : i32 to vector<16xi32>
    %and3A_752 = arith.andi %get3A_743, %and3A_751 : vector<16xi32>
    %add3A_753 = arith.addi %mul3A_749, %and3A_752 : vector<16xi32>
    %swap3A_754 = arith.constant 128 : index
    %swap3A_755 = tpu.vector_load %arg10[%swap3A_754] {strides = array<i32>} : memref<512xi32, #tpu.memory_space<vmem>>, vector<16xi32>,
    %swap3A_756 = vector.shape_cast %swap3A_755 : vector<16xi32> to vector<16xi32>
    %swap3A_757 = vector.shape_cast %add3A_753 : vector<16xi32> to vector<16xi32>
    tpu.vector_store %arg10[%swap3A_754], %swap3A_757 {strides = array<i32>} : memref<512xi32, #tpu.memory_space<vmem>>, vector<16xi32>,
    %get3A_758 = arith.constant 144 : index
    %get3A_759 = tpu.vector_load %arg9[%get3A_758] {strides = array<i32>} : memref<512xi32, #tpu.memory_space<vmem>>, vector<16xi32>,
    %get3A_760 = vector.shape_cast %get3A_759 : vector<16xi32> to vector<16xi32>
    %shift_right_logical3A_761 = arith.constant 15 : i32
    %shift_right_logical3A_762 = vector.broadcast %shift_right_logical3A_761 : i32 to vector<16xi32>
    %shift_right_logical3A_763 = arith.shrui %get3A_760, %shift_right_logical3A_762 : vector<16xi32>
    %mul3A_764 = arith.constant 8192 : i32
    %mul3A_765 = vector.broadcast %mul3A_764 : i32 to vector<16xi32>
    %mul3A_766 = arith.muli %shift_right_logical3A_763, %mul3A_765 : vector<16xi32>
    %and3A_767 = arith.constant 8191 : i32
    %and3A_768 = vector.broadcast %and3A_767 : i32 to vector<16xi32>
    %and3A_769 = arith.andi %get3A_760, %and3A_768 : vector<16xi32>
    %add3A_770 = arith.addi %mul3A_766, %and3A_769 : vector<16xi32>
    %swap3A_771 = arith.constant 144 : index
    %swap3A_772 = tpu.vector_load %arg10[%swap3A_771] {strides = array<i32>} : memref<512xi32, #tpu.memory_space<vmem>>, vector<16xi32>,
    %swap3A_773 = vector.shape_cast %swap3A_772 : vector<16xi32> to vector<16xi32>
    %swap3A_774 = vector.shape_cast %add3A_770 : vector<16xi32> to vector<16xi32>
    tpu.vector_store %arg10[%swap3A_771], %swap3A_774 {strides = array<i32>} : memref<512xi32, #tpu.memory_space<vmem>>, vector<16xi32>,
    %get3A_775 = arith.constant 160 : index
    %get3A_776 = tpu.vector_load %arg9[%get3A_775] {strides = array<i32>} : memref<512xi32, #tpu.memory_space<vmem>>, vector<16xi32>,
    %get3A_777 = vector.shape_cast %get3A_776 : vector<16xi32> to vector<16xi32>
    %shift_right_logical3A_778 = arith.constant 15 : i32
    %shift_right_logical3A_779 = vector.broadcast %shift_right_logical3A_778 : i32 to vector<16xi32>
    %shift_right_logical3A_780 = arith.shrui %get3A_777, %shift_right_logical3A_779 : vector<16xi32>
    %mul3A_781 = arith.constant 8192 : i32
    %mul3A_782 = vector.broadcast %mul3A_781 : i32 to vector<16xi32>
    %mul3A_783 = arith.muli %shift_right_logical3A_780, %mul3A_782 : vector<16xi32>
    %and3A_784 = arith.constant 8191 : i32
    %and3A_785 = vector.broadcast %and3A_784 : i32 to vector<16xi32>
    %and3A_786 = arith.andi %get3A_777, %and3A_785 : vector<16xi32>
    %add3A_787 = arith.addi %mul3A_783, %and3A_786 : vector<16xi32>
    %swap3A_788 = arith.constant 160 : index
    %swap3A_789 = tpu.vector_load %arg10[%swap3A_788] {strides = array<i32>} : memref<512xi32, #tpu.memory_space<vmem>>, vector<16xi32>,
    %swap3A_790 = vector.shape_cast %swap3A_789 : vector<16xi32> to vector<16xi32>
    %swap3A_791 = vector.shape_cast %add3A_787 : vector<16xi32> to vector<16xi32>
    tpu.vector_store %arg10[%swap3A_788], %swap3A_791 {strides = array<i32>} : memref<512xi32, #tpu.memory_space<vmem>>, vector<16xi32>,
    %get3A_792 = arith.constant 176 : index
    %get3A_793 = tpu.vector_load %arg9[%get3A_792] {strides = array<i32>} : memref<512xi32, #tpu.memory_space<vmem>>, vector<16xi32>,
    %get3A_794 = vector.shape_cast %get3A_793 : vector<16xi32> to vector<16xi32>
    %shift_right_logical3A_795 = arith.constant 15 : i32
    %shift_right_logical3A_796 = vector.broadcast %shift_right_logical3A_795 : i32 to vector<16xi32>
    %shift_right_logical3A_797 = arith.shrui %get3A_794, %shift_right_logical3A_796 : vector<16xi32>
    %mul3A_798 = arith.constant 8192 : i32
    %mul3A_799 = vector.broadcast %mul3A_798 : i32 to vector<16xi32>
    %mul3A_800 = arith.muli %shift_right_logical3A_797, %mul3A_799 : vector<16xi32>
    %and3A_801 = arith.constant 8191 : i32
    %and3A_802 = vector.broadcast %and3A_801 : i32 to vector<16xi32>
    %and3A_803 = arith.andi %get3A_794, %and3A_802 : vector<16xi32>
    %add3A_804 = arith.addi %mul3A_800, %and3A_803 : vector<16xi32>
    %swap3A_805 = arith.constant 176 : index
    %swap3A_806 = tpu.vector_load %arg10[%swap3A_805] {strides = array<i32>} : memref<512xi32, #tpu.memory_space<vmem>>, vector<16xi32>,
    %swap3A_807 = vector.shape_cast %swap3A_806 : vector<16xi32> to vector<16xi32>
    %swap3A_808 = vector.shape_cast %add3A_804 : vector<16xi32> to vector<16xi32>
    tpu.vector_store %arg10[%swap3A_805], %swap3A_808 {strides = array<i32>} : memref<512xi32, #tpu.memory_space<vmem>>, vector<16xi32>,
    %get3A_809 = arith.constant 192 : index
    %get3A_810 = tpu.vector_load %arg9[%get3A_809] {strides = array<i32>} : memref<512xi32, #tpu.memory_space<vmem>>, vector<16xi32>,
    %get3A_811 = vector.shape_cast %get3A_810 : vector<16xi32> to vector<16xi32>
    %shift_right_logical3A_812 = arith.constant 15 : i32
    %shift_right_logical3A_813 = vector.broadcast %shift_right_logical3A_812 : i32 to vector<16xi32>
    %shift_right_logical3A_814 = arith.shrui %get3A_811, %shift_right_logical3A_813 : vector<16xi32>
    %mul3A_815 = arith.constant 8192 : i32
    %mul3A_816 = vector.broadcast %mul3A_815 : i32 to vector<16xi32>
    %mul3A_817 = arith.muli %shift_right_logical3A_814, %mul3A_816 : vector<16xi32>
    %and3A_818 = arith.constant 8191 : i32
    %and3A_819 = vector.broadcast %and3A_818 : i32 to vector<16xi32>
    %and3A_820 = arith.andi %get3A_811, %and3A_819 : vector<16xi32>
    %add3A_821 = arith.addi %mul3A_817, %and3A_820 : vector<16xi32>
    %swap3A_822 = arith.constant 192 : index
    %swap3A_823 = tpu.vector_load %arg10[%swap3A_822] {strides = array<i32>} : memref<512xi32, #tpu.memory_space<vmem>>, vector<16xi32>,
    %swap3A_824 = vector.shape_cast %swap3A_823 : vector<16xi32> to vector<16xi32>
    %swap3A_825 = vector.shape_cast %add3A_821 : vector<16xi32> to vector<16xi32>
    tpu.vector_store %arg10[%swap3A_822], %swap3A_825 {strides = array<i32>} : memref<512xi32, #tpu.memory_space<vmem>>, vector<16xi32>,
    %get3A_826 = arith.constant 208 : index
    %get3A_827 = tpu.vector_load %arg9[%get3A_826] {strides = array<i32>} : memref<512xi32, #tpu.memory_space<vmem>>, vector<16xi32>,
    %get3A_828 = vector.shape_cast %get3A_827 : vector<16xi32> to vector<16xi32>
    %shift_right_logical3A_829 = arith.constant 15 : i32
    %shift_right_logical3A_830 = vector.broadcast %shift_right_logical3A_829 : i32 to vector<16xi32>
    %shift_right_logical3A_831 = arith.shrui %get3A_828, %shift_right_logical3A_830 : vector<16xi32>
    %mul3A_832 = arith.constant 8192 : i32
    %mul3A_833 = vector.broadcast %mul3A_832 : i32 to vector<16xi32>
    %mul3A_834 = arith.muli %shift_right_logical3A_831, %mul3A_833 : vector<16xi32>
    %and3A_835 = arith.constant 8191 : i32
    %and3A_836 = vector.broadcast %and3A_835 : i32 to vector<16xi32>
    %and3A_837 = arith.andi %get3A_828, %and3A_836 : vector<16xi32>
    %add3A_838 = arith.addi %mul3A_834, %and3A_837 : vector<16xi32>
    %swap3A_839 = arith.constant 208 : index
    %swap3A_840 = tpu.vector_load %arg10[%swap3A_839] {strides = array<i32>} : memref<512xi32, #tpu.memory_space<vmem>>, vector<16xi32>,
    %swap3A_841 = vector.shape_cast %swap3A_840 : vector<16xi32> to vector<16xi32>
    %swap3A_842 = vector.shape_cast %add3A_838 : vector<16xi32> to vector<16xi32>
    tpu.vector_store %arg10[%swap3A_839], %swap3A_842 {strides = array<i32>} : memref<512xi32, #tpu.memory_space<vmem>>, vector<16xi32>,
    %get3A_843 = arith.constant 224 : index
    %get3A_844 = tpu.vector_load %arg9[%get3A_843] {strides = array<i32>} : memref<512xi32, #tpu.memory_space<vmem>>, vector<16xi32>,
    %get3A_845 = vector.shape_cast %get3A_844 : vector<16xi32> to vector<16xi32>
    %shift_right_logical3A_846 = arith.constant 15 : i32
    %shift_right_logical3A_847 = vector.broadcast %shift_right_logical3A_846 : i32 to vector<16xi32>
    %shift_right_logical3A_848 = arith.shrui %get3A_845, %shift_right_logical3A_847 : vector<16xi32>
    %mul3A_849 = arith.constant 8192 : i32
    %mul3A_850 = vector.broadcast %mul3A_849 : i32 to vector<16xi32>
    %mul3A_851 = arith.muli %shift_right_logical3A_848, %mul3A_850 : vector<16xi32>
    %and3A_852 = arith.constant 8191 : i32
    %and3A_853 = vector.broadcast %and3A_852 : i32 to vector<16xi32>
    %and3A_854 = arith.andi %get3A_845, %and3A_853 : vector<16xi32>
    %add3A_855 = arith.addi %mul3A_851, %and3A_854 : vector<16xi32>
    %swap3A_856 = arith.constant 224 : index
    %swap3A_857 = tpu.vector_load %arg10[%swap3A_856] {strides = array<i32>} : memref<512xi32, #tpu.memory_space<vmem>>, vector<16xi32>,
    %swap3A_858 = vector.shape_cast %swap3A_857 : vector<16xi32> to vector<16xi32>
    %swap3A_859 = vector.shape_cast %add3A_855 : vector<16xi32> to vector<16xi32>
    tpu.vector_store %arg10[%swap3A_856], %swap3A_859 {strides = array<i32>} : memref<512xi32, #tpu.memory_space<vmem>>, vector<16xi32>,
    %get3A_860 = arith.constant 240 : index
    %get3A_861 = tpu.vector_load %arg9[%get3A_860] {strides = array<i32>} : memref<512xi32, #tpu.memory_space<vmem>>, vector<16xi32>,
    %get3A_862 = vector.shape_cast %get3A_861 : vector<16xi32> to vector<16xi32>
    %shift_right_logical3A_863 = arith.constant 15 : i32
    %shift_right_logical3A_864 = vector.broadcast %shift_right_logical3A_863 : i32 to vector<16xi32>
    %shift_right_logical3A_865 = arith.shrui %get3A_862, %shift_right_logical3A_864 : vector<16xi32>
    %mul3A_866 = arith.constant 8192 : i32
    %mul3A_867 = vector.broadcast %mul3A_866 : i32 to vector<16xi32>
    %mul3A_868 = arith.muli %shift_right_logical3A_865, %mul3A_867 : vector<16xi32>
    %and3A_869 = arith.constant 8191 : i32
    %and3A_870 = vector.broadcast %and3A_869 : i32 to vector<16xi32>
    %and3A_871 = arith.andi %get3A_862, %and3A_870 : vector<16xi32>
    %add3A_872 = arith.addi %mul3A_868, %and3A_871 : vector<16xi32>
    %swap3A_873 = arith.constant 240 : index
    %swap3A_874 = tpu.vector_load %arg10[%swap3A_873] {strides = array<i32>} : memref<512xi32, #tpu.memory_space<vmem>>, vector<16xi32>,
    %swap3A_875 = vector.shape_cast %swap3A_874 : vector<16xi32> to vector<16xi32>
    %swap3A_876 = vector.shape_cast %add3A_872 : vector<16xi32> to vector<16xi32>
    tpu.vector_store %arg10[%swap3A_873], %swap3A_876 {strides = array<i32>} : memref<512xi32, #tpu.memory_space<vmem>>, vector<16xi32>,
    %get3A_877 = arith.constant 256 : index
    %get3A_878 = tpu.vector_load %arg9[%get3A_877] {strides = array<i32>} : memref<512xi32, #tpu.memory_space<vmem>>, vector<16xi32>,
    %get3A_879 = vector.shape_cast %get3A_878 : vector<16xi32> to vector<16xi32>
    %shift_right_logical3A_880 = arith.constant 15 : i32
    %shift_right_logical3A_881 = vector.broadcast %shift_right_logical3A_880 : i32 to vector<16xi32>
    %shift_right_logical3A_882 = arith.shrui %get3A_879, %shift_right_logical3A_881 : vector<16xi32>
    %mul3A_883 = arith.constant 8192 : i32
    %mul3A_884 = vector.broadcast %mul3A_883 : i32 to vector<16xi32>
    %mul3A_885 = arith.muli %shift_right_logical3A_882, %mul3A_884 : vector<16xi32>
    %and3A_886 = arith.constant 8191 : i32
    %and3A_887 = vector.broadcast %and3A_886 : i32 to vector<16xi32>
    %and3A_888 = arith.andi %get3A_879, %and3A_887 : vector<16xi32>
    %add3A_889 = arith.addi %mul3A_885, %and3A_888 : vector<16xi32>
    %swap3A_890 = arith.constant 256 : index
    %swap3A_891 = tpu.vector_load %arg10[%swap3A_890] {strides = array<i32>} : memref<512xi32, #tpu.memory_space<vmem>>, vector<16xi32>,
    %swap3A_892 = vector.shape_cast %swap3A_891 : vector<16xi32> to vector<16xi32>
    %swap3A_893 = vector.shape_cast %add3A_889 : vector<16xi32> to vector<16xi32>
    tpu.vector_store %arg10[%swap3A_890], %swap3A_893 {strides = array<i32>} : memref<512xi32, #tpu.memory_space<vmem>>, vector<16xi32>,
    %get3A_894 = arith.constant 272 : index
    %get3A_895 = tpu.vector_load %arg9[%get3A_894] {strides = array<i32>} : memref<512xi32, #tpu.memory_space<vmem>>, vector<16xi32>,
    %get3A_896 = vector.shape_cast %get3A_895 : vector<16xi32> to vector<16xi32>
    %shift_right_logical3A_897 = arith.constant 15 : i32
    %shift_right_logical3A_898 = vector.broadcast %shift_right_logical3A_897 : i32 to vector<16xi32>
    %shift_right_logical3A_899 = arith.shrui %get3A_896, %shift_right_logical3A_898 : vector<16xi32>
    %mul3A_900 = arith.constant 8192 : i32
    %mul3A_901 = vector.broadcast %mul3A_900 : i32 to vector<16xi32>
    %mul3A_902 = arith.muli %shift_right_logical3A_899, %mul3A_901 : vector<16xi32>
    %and3A_903 = arith.constant 8191 : i32
    %and3A_904 = vector.broadcast %and3A_903 : i32 to vector<16xi32>
    %and3A_905 = arith.andi %get3A_896, %and3A_904 : vector<16xi32>
    %add3A_906 = arith.addi %mul3A_902, %and3A_905 : vector<16xi32>
    %swap3A_907 = arith.constant 272 : index
    %swap3A_908 = tpu.vector_load %arg10[%swap3A_907] {strides = array<i32>} : memref<512xi32, #tpu.memory_space<vmem>>, vector<16xi32>,
    %swap3A_909 = vector.shape_cast %swap3A_908 : vector<16xi32> to vector<16xi32>
    %swap3A_910 = vector.shape_cast %add3A_906 : vector<16xi32> to vector<16xi32>
    tpu.vector_store %arg10[%swap3A_907], %swap3A_910 {strides = array<i32>} : memref<512xi32, #tpu.memory_space<vmem>>, vector<16xi32>,
    %get3A_911 = arith.constant 288 : index
    %get3A_912 = tpu.vector_load %arg9[%get3A_911] {strides = array<i32>} : memref<512xi32, #tpu.memory_space<vmem>>, vector<16xi32>,
    %get3A_913 = vector.shape_cast %get3A_912 : vector<16xi32> to vector<16xi32>
    %shift_right_logical3A_914 = arith.constant 15 : i32
    %shift_right_logical3A_915 = vector.broadcast %shift_right_logical3A_914 : i32 to vector<16xi32>
    %shift_right_logical3A_916 = arith.shrui %get3A_913, %shift_right_logical3A_915 : vector<16xi32>
    %mul3A_917 = arith.constant 8192 : i32
    %mul3A_918 = vector.broadcast %mul3A_917 : i32 to vector<16xi32>
    %mul3A_919 = arith.muli %shift_right_logical3A_916, %mul3A_918 : vector<16xi32>
    %and3A_920 = arith.constant 8191 : i32
    %and3A_921 = vector.broadcast %and3A_920 : i32 to vector<16xi32>
    %and3A_922 = arith.andi %get3A_913, %and3A_921 : vector<16xi32>
    %add3A_923 = arith.addi %mul3A_919, %and3A_922 : vector<16xi32>
    %swap3A_924 = arith.constant 288 : index
    %swap3A_925 = tpu.vector_load %arg10[%swap3A_924] {strides = array<i32>} : memref<512xi32, #tpu.memory_space<vmem>>, vector<16xi32>,
    %swap3A_926 = vector.shape_cast %swap3A_925 : vector<16xi32> to vector<16xi32>
    %swap3A_927 = vector.shape_cast %add3A_923 : vector<16xi32> to vector<16xi32>
    tpu.vector_store %arg10[%swap3A_924], %swap3A_927 {strides = array<i32>} : memref<512xi32, #tpu.memory_space<vmem>>, vector<16xi32>,
    %get3A_928 = arith.constant 304 : index
    %get3A_929 = tpu.vector_load %arg9[%get3A_928] {strides = array<i32>} : memref<512xi32, #tpu.memory_space<vmem>>, vector<16xi32>,
    %get3A_930 = vector.shape_cast %get3A_929 : vector<16xi32> to vector<16xi32>
    %shift_right_logical3A_931 = arith.constant 15 : i32
    %shift_right_logical3A_932 = vector.broadcast %shift_right_logical3A_931 : i32 to vector<16xi32>
    %shift_right_logical3A_933 = arith.shrui %get3A_930, %shift_right_logical3A_932 : vector<16xi32>
    %mul3A_934 = arith.constant 8192 : i32
    %mul3A_935 = vector.broadcast %mul3A_934 : i32 to vector<16xi32>
    %mul3A_936 = arith.muli %shift_right_logical3A_933, %mul3A_935 : vector<16xi32>
    %and3A_937 = arith.constant 8191 : i32
    %and3A_938 = vector.broadcast %and3A_937 : i32 to vector<16xi32>
    %and3A_939 = arith.andi %get3A_930, %and3A_938 : vector<16xi32>
    %add3A_940 = arith.addi %mul3A_936, %and3A_939 : vector<16xi32>
    %swap3A_941 = arith.constant 304 : index
    %swap3A_942 = tpu.vector_load %arg10[%swap3A_941] {strides = array<i32>} : memref<512xi32, #tpu.memory_space<vmem>>, vector<16xi32>,
    %swap3A_943 = vector.shape_cast %swap3A_942 : vector<16xi32> to vector<16xi32>
    %swap3A_944 = vector.shape_cast %add3A_940 : vector<16xi32> to vector<16xi32>
    tpu.vector_store %arg10[%swap3A_941], %swap3A_944 {strides = array<i32>} : memref<512xi32, #tpu.memory_space<vmem>>, vector<16xi32>,
    %get3A_945 = arith.constant 320 : index
    %get3A_946 = tpu.vector_load %arg9[%get3A_945] {strides = array<i32>} : memref<512xi32, #tpu.memory_space<vmem>>, vector<16xi32>,
    %get3A_947 = vector.shape_cast %get3A_946 : vector<16xi32> to vector<16xi32>
    %shift_right_logical3A_948 = arith.constant 15 : i32
    %shift_right_logical3A_949 = vector.broadcast %shift_right_logical3A_948 : i32 to vector<16xi32>
    %shift_right_logical3A_950 = arith.shrui %get3A_947, %shift_right_logical3A_949 : vector<16xi32>
    %mul3A_951 = arith.constant 8192 : i32
    %mul3A_952 = vector.broadcast %mul3A_951 : i32 to vector<16xi32>
    %mul3A_953 = arith.muli %shift_right_logical3A_950, %mul3A_952 : vector<16xi32>
    %and3A_954 = arith.constant 8191 : i32
    %and3A_955 = vector.broadcast %and3A_954 : i32 to vector<16xi32>
    %and3A_956 = arith.andi %get3A_947, %and3A_955 : vector<16xi32>
    %add3A_957 = arith.addi %mul3A_953, %and3A_956 : vector<16xi32>
    %swap3A_958 = arith.constant 320 : index
    %swap3A_959 = tpu.vector_load %arg10[%swap3A_958] {strides = array<i32>} : memref<512xi32, #tpu.memory_space<vmem>>, vector<16xi32>,
    %swap3A_960 = vector.shape_cast %swap3A_959 : vector<16xi32> to vector<16xi32>
    %swap3A_961 = vector.shape_cast %add3A_957 : vector<16xi32> to vector<16xi32>
    tpu.vector_store %arg10[%swap3A_958], %swap3A_961 {strides = array<i32>} : memref<512xi32, #tpu.memory_space<vmem>>, vector<16xi32>,
    %get3A_962 = arith.constant 336 : index
    %get3A_963 = tpu.vector_load %arg9[%get3A_962] {strides = array<i32>} : memref<512xi32, #tpu.memory_space<vmem>>, vector<16xi32>,
    %get3A_964 = vector.shape_cast %get3A_963 : vector<16xi32> to vector<16xi32>
    %shift_right_logical3A_965 = arith.constant 15 : i32
    %shift_right_logical3A_966 = vector.broadcast %shift_right_logical3A_965 : i32 to vector<16xi32>
    %shift_right_logical3A_967 = arith.shrui %get3A_964, %shift_right_logical3A_966 : vector<16xi32>
    %mul3A_968 = arith.constant 8192 : i32
    %mul3A_969 = vector.broadcast %mul3A_968 : i32 to vector<16xi32>
    %mul3A_970 = arith.muli %shift_right_logical3A_967, %mul3A_969 : vector<16xi32>
    %and3A_971 = arith.constant 8191 : i32
    %and3A_972 = vector.broadcast %and3A_971 : i32 to vector<16xi32>
    %and3A_973 = arith.andi %get3A_964, %and3A_972 : vector<16xi32>
    %add3A_974 = arith.addi %mul3A_970, %and3A_973 : vector<16xi32>
    %swap3A_975 = arith.constant 336 : index
    %swap3A_976 = tpu.vector_load %arg10[%swap3A_975] {strides = array<i32>} : memref<512xi32, #tpu.memory_space<vmem>>, vector<16xi32>,
    %swap3A_977 = vector.shape_cast %swap3A_976 : vector<16xi32> to vector<16xi32>
    %swap3A_978 = vector.shape_cast %add3A_974 : vector<16xi32> to vector<16xi32>
    tpu.vector_store %arg10[%swap3A_975], %swap3A_978 {strides = array<i32>} : memref<512xi32, #tpu.memory_space<vmem>>, vector<16xi32>,
    %get3A_979 = arith.constant 352 : index
    %get3A_980 = tpu.vector_load %arg9[%get3A_979] {strides = array<i32>} : memref<512xi32, #tpu.memory_space<vmem>>, vector<16xi32>,
    %get3A_981 = vector.shape_cast %get3A_980 : vector<16xi32> to vector<16xi32>
    %shift_right_logical3A_982 = arith.constant 15 : i32
    %shift_right_logical3A_983 = vector.broadcast %shift_right_logical3A_982 : i32 to vector<16xi32>
    %shift_right_logical3A_984 = arith.shrui %get3A_981, %shift_right_logical3A_983 : vector<16xi32>
    %mul3A_985 = arith.constant 8192 : i32
    %mul3A_986 = vector.broadcast %mul3A_985 : i32 to vector<16xi32>
    %mul3A_987 = arith.muli %shift_right_logical3A_984, %mul3A_986 : vector<16xi32>
    %and3A_988 = arith.constant 8191 : i32
    %and3A_989 = vector.broadcast %and3A_988 : i32 to vector<16xi32>
    %and3A_990 = arith.andi %get3A_981, %and3A_989 : vector<16xi32>
    %add3A_991 = arith.addi %mul3A_987, %and3A_990 : vector<16xi32>
    %swap3A_992 = arith.constant 352 : index
    %swap3A_993 = tpu.vector_load %arg10[%swap3A_992] {strides = array<i32>} : memref<512xi32, #tpu.memory_space<vmem>>, vector<16xi32>,
    %swap3A_994 = vector.shape_cast %swap3A_993 : vector<16xi32> to vector<16xi32>
    %swap3A_995 = vector.shape_cast %add3A_991 : vector<16xi32> to vector<16xi32>
    tpu.vector_store %arg10[%swap3A_992], %swap3A_995 {strides = array<i32>} : memref<512xi32, #tpu.memory_space<vmem>>, vector<16xi32>,
    %get3A_996 = arith.constant 368 : index
    %get3A_997 = tpu.vector_load %arg9[%get3A_996] {strides = array<i32>} : memref<512xi32, #tpu.memory_space<vmem>>, vector<16xi32>,
    %get3A_998 = vector.shape_cast %get3A_997 : vector<16xi32> to vector<16xi32>
    %shift_right_logical3A_999 = arith.constant 15 : i32
    %shift_right_logical3A_1000 = vector.broadcast %shift_right_logical3A_999 : i32 to vector<16xi32>
    %shift_right_logical3A_1001 = arith.shrui %get3A_998, %shift_right_logical3A_1000 : vector<16xi32>
    %mul3A_1002 = arith.constant 8192 : i32
    %mul3A_1003 = vector.broadcast %mul3A_1002 : i32 to vector<16xi32>
    %mul3A_1004 = arith.muli %shift_right_logical3A_1001, %mul3A_1003 : vector<16xi32>
    %and3A_1005 = arith.constant 8191 : i32
    %and3A_1006 = vector.broadcast %and3A_1005 : i32 to vector<16xi32>
    %and3A_1007 = arith.andi %get3A_998, %and3A_1006 : vector<16xi32>
    %add3A_1008 = arith.addi %mul3A_1004, %and3A_1007 : vector<16xi32>
    %swap3A_1009 = arith.constant 368 : index
    %swap3A_1010 = tpu.vector_load %arg10[%swap3A_1009] {strides = array<i32>} : memref<512xi32, #tpu.memory_space<vmem>>, vector<16xi32>,
    %swap3A_1011 = vector.shape_cast %swap3A_1010 : vector<16xi32> to vector<16xi32>
    %swap3A_1012 = vector.shape_cast %add3A_1008 : vector<16xi32> to vector<16xi32>
    tpu.vector_store %arg10[%swap3A_1009], %swap3A_1012 {strides = array<i32>} : memref<512xi32, #tpu.memory_space<vmem>>, vector<16xi32>,
    %get3A_1013 = arith.constant 384 : index
    %get3A_1014 = tpu.vector_load %arg9[%get3A_1013] {strides = array<i32>} : memref<512xi32, #tpu.memory_space<vmem>>, vector<16xi32>,
    %get3A_1015 = vector.shape_cast %get3A_1014 : vector<16xi32> to vector<16xi32>
    %shift_right_logical3A_1016 = arith.constant 15 : i32
    %shift_right_logical3A_1017 = vector.broadcast %shift_right_logical3A_1016 : i32 to vector<16xi32>
    %shift_right_logical3A_1018 = arith.shrui %get3A_1015, %shift_right_logical3A_1017 : vector<16xi32>
    %mul3A_1019 = arith.constant 8192 : i32
    %mul3A_1020 = vector.broadcast %mul3A_1019 : i32 to vector<16xi32>
    %mul3A_1021 = arith.muli %shift_right_logical3A_1018, %mul3A_1020 : vector<16xi32>
    %and3A_1022 = arith.constant 8191 : i32
    %and3A_1023 = vector.broadcast %and3A_1022 : i32 to vector<16xi32>
    %and3A_1024 = arith.andi %get3A_1015, %and3A_1023 : vector<16xi32>
    %add3A_1025 = arith.addi %mul3A_1021, %and3A_1024 : vector<16xi32>
    %swap3A_1026 = arith.constant 384 : index
    %swap3A_1027 = tpu.vector_load %arg10[%swap3A_1026] {strides = array<i32>} : memref<512xi32, #tpu.memory_space<vmem>>, vector<16xi32>,
    %swap3A_1028 = vector.shape_cast %swap3A_1027 : vector<16xi32> to vector<16xi32>
    %swap3A_1029 = vector.shape_cast %add3A_1025 : vector<16xi32> to vector<16xi32>
    tpu.vector_store %arg10[%swap3A_1026], %swap3A_1029 {strides = array<i32>} : memref<512xi32, #tpu.memory_space<vmem>>, vector<16xi32>,
    %get3A_1030 = arith.constant 400 : index
    %get3A_1031 = tpu.vector_load %arg9[%get3A_1030] {strides = array<i32>} : memref<512xi32, #tpu.memory_space<vmem>>, vector<16xi32>,
    %get3A_1032 = vector.shape_cast %get3A_1031 : vector<16xi32> to vector<16xi32>
    %shift_right_logical3A_1033 = arith.constant 15 : i32
    %shift_right_logical3A_1034 = vector.broadcast %shift_right_logical3A_1033 : i32 to vector<16xi32>
    %shift_right_logical3A_1035 = arith.shrui %get3A_1032, %shift_right_logical3A_1034 : vector<16xi32>
    %mul3A_1036 = arith.constant 8192 : i32
    %mul3A_1037 = vector.broadcast %mul3A_1036 : i32 to vector<16xi32>
    %mul3A_1038 = arith.muli %shift_right_logical3A_1035, %mul3A_1037 : vector<16xi32>
    %and3A_1039 = arith.constant 8191 : i32
    %and3A_1040 = vector.broadcast %and3A_1039 : i32 to vector<16xi32>
    %and3A_1041 = arith.andi %get3A_1032, %and3A_1040 : vector<16xi32>
    %add3A_1042 = arith.addi %mul3A_1038, %and3A_1041 : vector<16xi32>
    %swap3A_1043 = arith.constant 400 : index
    %swap3A_1044 = tpu.vector_load %arg10[%swap3A_1043] {strides = array<i32>} : memref<512xi32, #tpu.memory_space<vmem>>, vector<16xi32>,
    %swap3A_1045 = vector.shape_cast %swap3A_1044 : vector<16xi32> to vector<16xi32>
    %swap3A_1046 = vector.shape_cast %add3A_1042 : vector<16xi32> to vector<16xi32>
    tpu.vector_store %arg10[%swap3A_1043], %swap3A_1046 {strides = array<i32>} : memref<512xi32, #tpu.memory_space<vmem>>, vector<16xi32>,
    %get3A_1047 = arith.constant 416 : index
    %get3A_1048 = tpu.vector_load %arg9[%get3A_1047] {strides = array<i32>} : memref<512xi32, #tpu.memory_space<vmem>>, vector<16xi32>,
    %get3A_1049 = vector.shape_cast %get3A_1048 : vector<16xi32> to vector<16xi32>
    %shift_right_logical3A_1050 = arith.constant 15 : i32
    %shift_right_logical3A_1051 = vector.broadcast %shift_right_logical3A_1050 : i32 to vector<16xi32>
    %shift_right_logical3A_1052 = arith.shrui %get3A_1049, %shift_right_logical3A_1051 : vector<16xi32>
    %mul3A_1053 = arith.constant 8192 : i32
    %mul3A_1054 = vector.broadcast %mul3A_1053 : i32 to vector<16xi32>
    %mul3A_1055 = arith.muli %shift_right_logical3A_1052, %mul3A_1054 : vector<16xi32>
    %and3A_1056 = arith.constant 8191 : i32
    %and3A_1057 = vector.broadcast %and3A_1056 : i32 to vector<16xi32>
    %and3A_1058 = arith.andi %get3A_1049, %and3A_1057 : vector<16xi32>
    %add3A_1059 = arith.addi %mul3A_1055, %and3A_1058 : vector<16xi32>
    %swap3A_1060 = arith.constant 416 : index
    %swap3A_1061 = tpu.vector_load %arg10[%swap3A_1060] {strides = array<i32>} : memref<512xi32, #tpu.memory_space<vmem>>, vector<16xi32>,
    %swap3A_1062 = vector.shape_cast %swap3A_1061 : vector<16xi32> to vector<16xi32>
    %swap3A_1063 = vector.shape_cast %add3A_1059 : vector<16xi32> to vector<16xi32>
    tpu.vector_store %arg10[%swap3A_1060], %swap3A_1063 {strides = array<i32>} : memref<512xi32, #tpu.memory_space<vmem>>, vector<16xi32>,
    %get3A_1064 = arith.constant 432 : index
    %get3A_1065 = tpu.vector_load %arg9[%get3A_1064] {strides = array<i32>} : memref<512xi32, #tpu.memory_space<vmem>>, vector<16xi32>,
    %get3A_1066 = vector.shape_cast %get3A_1065 : vector<16xi32> to vector<16xi32>
    %shift_right_logical3A_1067 = arith.constant 15 : i32
    %shift_right_logical3A_1068 = vector.broadcast %shift_right_logical3A_1067 : i32 to vector<16xi32>
    %shift_right_logical3A_1069 = arith.shrui %get3A_1066, %shift_right_logical3A_1068 : vector<16xi32>
    %mul3A_1070 = arith.constant 8192 : i32
    %mul3A_1071 = vector.broadcast %mul3A_1070 : i32 to vector<16xi32>
    %mul3A_1072 = arith.muli %shift_right_logical3A_1069, %mul3A_1071 : vector<16xi32>
    %and3A_1073 = arith.constant 8191 : i32
    %and3A_1074 = vector.broadcast %and3A_1073 : i32 to vector<16xi32>
    %and3A_1075 = arith.andi %get3A_1066, %and3A_1074 : vector<16xi32>
    %add3A_1076 = arith.addi %mul3A_1072, %and3A_1075 : vector<16xi32>
    %swap3A_1077 = arith.constant 432 : index
    %swap3A_1078 = tpu.vector_load %arg10[%swap3A_1077] {strides = array<i32>} : memref<512xi32, #tpu.memory_space<vmem>>, vector<16xi32>,
    %swap3A_1079 = vector.shape_cast %swap3A_1078 : vector<16xi32> to vector<16xi32>
    %swap3A_1080 = vector.shape_cast %add3A_1076 : vector<16xi32> to vector<16xi32>
    tpu.vector_store %arg10[%swap3A_1077], %swap3A_1080 {strides = array<i32>} : memref<512xi32, #tpu.memory_space<vmem>>, vector<16xi32>,
    %get3A_1081 = arith.constant 448 : index
    %get3A_1082 = tpu.vector_load %arg9[%get3A_1081] {strides = array<i32>} : memref<512xi32, #tpu.memory_space<vmem>>, vector<16xi32>,
    %get3A_1083 = vector.shape_cast %get3A_1082 : vector<16xi32> to vector<16xi32>
    %shift_right_logical3A_1084 = arith.constant 15 : i32
    %shift_right_logical3A_1085 = vector.broadcast %shift_right_logical3A_1084 : i32 to vector<16xi32>
    %shift_right_logical3A_1086 = arith.shrui %get3A_1083, %shift_right_logical3A_1085 : vector<16xi32>
    %mul3A_1087 = arith.constant 8192 : i32
    %mul3A_1088 = vector.broadcast %mul3A_1087 : i32 to vector<16xi32>
    %mul3A_1089 = arith.muli %shift_right_logical3A_1086, %mul3A_1088 : vector<16xi32>
    %and3A_1090 = arith.constant 8191 : i32
    %and3A_1091 = vector.broadcast %and3A_1090 : i32 to vector<16xi32>
    %and3A_1092 = arith.andi %get3A_1083, %and3A_1091 : vector<16xi32>
    %add3A_1093 = arith.addi %mul3A_1089, %and3A_1092 : vector<16xi32>
    %swap3A_1094 = arith.constant 448 : index
    %swap3A_1095 = tpu.vector_load %arg10[%swap3A_1094] {strides = array<i32>} : memref<512xi32, #tpu.memory_space<vmem>>, vector<16xi32>,
    %swap3A_1096 = vector.shape_cast %swap3A_1095 : vector<16xi32> to vector<16xi32>
    %swap3A_1097 = vector.shape_cast %add3A_1093 : vector<16xi32> to vector<16xi32>
    tpu.vector_store %arg10[%swap3A_1094], %swap3A_1097 {strides = array<i32>} : memref<512xi32, #tpu.memory_space<vmem>>, vector<16xi32>,
    %get3A_1098 = arith.constant 464 : index
    %get3A_1099 = tpu.vector_load %arg9[%get3A_1098] {strides = array<i32>} : memref<512xi32, #tpu.memory_space<vmem>>, vector<16xi32>,
    %get3A_1100 = vector.shape_cast %get3A_1099 : vector<16xi32> to vector<16xi32>
    %shift_right_logical3A_1101 = arith.constant 15 : i32
    %shift_right_logical3A_1102 = vector.broadcast %shift_right_logical3A_1101 : i32 to vector<16xi32>
    %shift_right_logical3A_1103 = arith.shrui %get3A_1100, %shift_right_logical3A_1102 : vector<16xi32>
    %mul3A_1104 = arith.constant 8192 : i32
    %mul3A_1105 = vector.broadcast %mul3A_1104 : i32 to vector<16xi32>
    %mul3A_1106 = arith.muli %shift_right_logical3A_1103, %mul3A_1105 : vector<16xi32>
    %and3A_1107 = arith.constant 8191 : i32
    %and3A_1108 = vector.broadcast %and3A_1107 : i32 to vector<16xi32>
    %and3A_1109 = arith.andi %get3A_1100, %and3A_1108 : vector<16xi32>
    %add3A_1110 = arith.addi %mul3A_1106, %and3A_1109 : vector<16xi32>
    %swap3A_1111 = arith.constant 464 : index
    %swap3A_1112 = tpu.vector_load %arg10[%swap3A_1111] {strides = array<i32>} : memref<512xi32, #tpu.memory_space<vmem>>, vector<16xi32>,
    %swap3A_1113 = vector.shape_cast %swap3A_1112 : vector<16xi32> to vector<16xi32>
    %swap3A_1114 = vector.shape_cast %add3A_1110 : vector<16xi32> to vector<16xi32>
    tpu.vector_store %arg10[%swap3A_1111], %swap3A_1114 {strides = array<i32>} : memref<512xi32, #tpu.memory_space<vmem>>, vector<16xi32>,
    %get3A_1115 = arith.constant 480 : index
    %get3A_1116 = tpu.vector_load %arg9[%get3A_1115] {strides = array<i32>} : memref<512xi32, #tpu.memory_space<vmem>>, vector<16xi32>,
    %get3A_1117 = vector.shape_cast %get3A_1116 : vector<16xi32> to vector<16xi32>
    %shift_right_logical3A_1118 = arith.constant 15 : i32
    %shift_right_logical3A_1119 = vector.broadcast %shift_right_logical3A_1118 : i32 to vector<16xi32>
    %shift_right_logical3A_1120 = arith.shrui %get3A_1117, %shift_right_logical3A_1119 : vector<16xi32>
    %mul3A_1121 = arith.constant 8192 : i32
    %mul3A_1122 = vector.broadcast %mul3A_1121 : i32 to vector<16xi32>
    %mul3A_1123 = arith.muli %shift_right_logical3A_1120, %mul3A_1122 : vector<16xi32>
    %and3A_1124 = arith.constant 8191 : i32
    %and3A_1125 = vector.broadcast %and3A_1124 : i32 to vector<16xi32>
    %and3A_1126 = arith.andi %get3A_1117, %and3A_1125 : vector<16xi32>
    %add3A_1127 = arith.addi %mul3A_1123, %and3A_1126 : vector<16xi32>
    %swap3A_1128 = arith.constant 480 : index
    %swap3A_1129 = tpu.vector_load %arg10[%swap3A_1128] {strides = array<i32>} : memref<512xi32, #tpu.memory_space<vmem>>, vector<16xi32>,
    %swap3A_1130 = vector.shape_cast %swap3A_1129 : vector<16xi32> to vector<16xi32>
    %swap3A_1131 = vector.shape_cast %add3A_1127 : vector<16xi32> to vector<16xi32>
    tpu.vector_store %arg10[%swap3A_1128], %swap3A_1131 {strides = array<i32>} : memref<512xi32, #tpu.memory_space<vmem>>, vector<16xi32>,
    %get3A_1132 = arith.constant 496 : index
    %get3A_1133 = tpu.vector_load %arg9[%get3A_1132] {strides = array<i32>} : memref<512xi32, #tpu.memory_space<vmem>>, vector<16xi32>,
    %get3A_1134 = vector.shape_cast %get3A_1133 : vector<16xi32> to vector<16xi32>
    %shift_right_logical3A_1135 = arith.constant 15 : i32
    %shift_right_logical3A_1136 = vector.broadcast %shift_right_logical3A_1135 : i32 to vector<16xi32>
    %shift_right_logical3A_1137 = arith.shrui %get3A_1134, %shift_right_logical3A_1136 : vector<16xi32>
    %mul3A_1138 = arith.constant 8192 : i32
    %mul3A_1139 = vector.broadcast %mul3A_1138 : i32 to vector<16xi32>
    %mul3A_1140 = arith.muli %shift_right_logical3A_1137, %mul3A_1139 : vector<16xi32>
    %and3A_1141 = arith.constant 8191 : i32
    %and3A_1142 = vector.broadcast %and3A_1141 : i32 to vector<16xi32>
    %and3A_1143 = arith.andi %get3A_1134, %and3A_1142 : vector<16xi32>
    %add3A_1144 = arith.addi %mul3A_1140, %and3A_1143 : vector<16xi32>
    %swap3A_1145 = arith.constant 496 : index
    %swap3A_1146 = tpu.vector_load %arg10[%swap3A_1145] {strides = array<i32>} : memref<512xi32, #tpu.memory_space<vmem>>, vector<16xi32>,
    %swap3A_1147 = vector.shape_cast %swap3A_1146 : vector<16xi32> to vector<16xi32>
    %swap3A_1148 = vector.shape_cast %add3A_1144 : vector<16xi32> to vector<16xi32>
    tpu.vector_store %arg10[%swap3A_1145], %swap3A_1148 {strides = array<i32>} : memref<512xi32, #tpu.memory_space<vmem>>, vector<16xi32>,
    %dma_start3A_1149 = arith.constant 0 : i32
    %dma_start3A_1150 = arith.constant 0 : i32
    %dma_start3A_1151 = tpu.memref_slice %arg11[%dma_start3A_1149, %dma_start3A_1150] : memref<512x128xf32, #tpu.memory_space<vmem>> -> memref<128x128xf32, #tpu.memory_space<vmem>>
    %dma_start3A_1152 = arith.constant 0 : i32
    %dma_start3A_1153 = tpu.memref_slice %arg10[%dma_start3A_1152] : memref<512xi32, #tpu.memory_space<vmem>> -> memref<128xi32, #tpu.memory_space<vmem>>
    %dma_start3A_1154 = arith.constant 0 : i32
    %dma_start3A_1155 = arith.constant 0 : i32
    %dma_start3A_1156 = tpu.memref_slice %arg3[%dma_start3A_1154, %dma_start3A_1155] : memref<253952x128xf32, #tpu.memory_space<hbm>> -> memref<253952x128xf32, #tpu.memory_space<hbm>>
    tpu.enqueue_indirect_dma source(%dma_start3A_1156 : memref<253952x128xf32, #tpu.memory_space<hbm>>) target(%dma_start3A_1151 : memref<128x128xf32, #tpu.memory_space<vmem>>) offsets(%dma_start3A_1153 : memref<128xi32, #tpu.memory_space<vmem>>) semaphore(%arg12 : memref<!tpu.dma_semaphore, #tpu.memory_space<semaphore_mem>>)
    %dma_start3A_1157 = arith.constant 128 : i32
    %dma_start3A_1158 = arith.constant 0 : i32
    %dma_start3A_1159 = tpu.memref_slice %arg11[%dma_start3A_1157, %dma_start3A_1158] : memref<512x128xf32, #tpu.memory_space<vmem>> -> memref<128x128xf32, #tpu.memory_space<vmem>>
    %dma_start3A_1160 = arith.constant 128 : i32
    %dma_start3A_1161 = tpu.memref_slice %arg10[%dma_start3A_1160] : memref<512xi32, #tpu.memory_space<vmem>> -> memref<128xi32, #tpu.memory_space<vmem>>
    %dma_start3A_1162 = arith.constant 0 : i32
    %dma_start3A_1163 = arith.constant 0 : i32
    %dma_start3A_1164 = tpu.memref_slice %arg3[%dma_start3A_1162, %dma_start3A_1163] : memref<253952x128xf32, #tpu.memory_space<hbm>> -> memref<253952x128xf32, #tpu.memory_space<hbm>>
    tpu.enqueue_indirect_dma source(%dma_start3A_1164 : memref<253952x128xf32, #tpu.memory_space<hbm>>) target(%dma_start3A_1159 : memref<128x128xf32, #tpu.memory_space<vmem>>) offsets(%dma_start3A_1161 : memref<128xi32, #tpu.memory_space<vmem>>) semaphore(%arg12 : memref<!tpu.dma_semaphore, #tpu.memory_space<semaphore_mem>>)
    %dma_start3A_1165 = arith.constant 256 : i32
    %dma_start3A_1166 = arith.constant 0 : i32
    %dma_start3A_1167 = tpu.memref_slice %arg11[%dma_start3A_1165, %dma_start3A_1166] : memref<512x128xf32, #tpu.memory_space<vmem>> -> memref<128x128xf32, #tpu.memory_space<vmem>>
    %dma_start3A_1168 = arith.constant 256 : i32
    %dma_start3A_1169 = tpu.memref_slice %arg10[%dma_start3A_1168] : memref<512xi32, #tpu.memory_space<vmem>> -> memref<128xi32, #tpu.memory_space<vmem>>
    %dma_start3A_1170 = arith.constant 0 : i32
    %dma_start3A_1171 = arith.constant 0 : i32
    %dma_start3A_1172 = tpu.memref_slice %arg3[%dma_start3A_1170, %dma_start3A_1171] : memref<253952x128xf32, #tpu.memory_space<hbm>> -> memref<253952x128xf32, #tpu.memory_space<hbm>>
    tpu.enqueue_indirect_dma source(%dma_start3A_1172 : memref<253952x128xf32, #tpu.memory_space<hbm>>) target(%dma_start3A_1167 : memref<128x128xf32, #tpu.memory_space<vmem>>) offsets(%dma_start3A_1169 : memref<128xi32, #tpu.memory_space<vmem>>) semaphore(%arg12 : memref<!tpu.dma_semaphore, #tpu.memory_space<semaphore_mem>>)
    %dma_start3A_1173 = arith.constant 384 : i32
    %dma_start3A_1174 = arith.constant 0 : i32
    %dma_start3A_1175 = tpu.memref_slice %arg11[%dma_start3A_1173, %dma_start3A_1174] : memref<512x128xf32, #tpu.memory_space<vmem>> -> memref<128x128xf32, #tpu.memory_space<vmem>>
    %dma_start3A_1176 = arith.constant 384 : i32
    %dma_start3A_1177 = tpu.memref_slice %arg10[%dma_start3A_1176] : memref<512xi32, #tpu.memory_space<vmem>> -> memref<128xi32, #tpu.memory_space<vmem>>
    %dma_start3A_1178 = arith.constant 0 : i32
    %dma_start3A_1179 = arith.constant 0 : i32
    %dma_start3A_1180 = tpu.memref_slice %arg3[%dma_start3A_1178, %dma_start3A_1179] : memref<253952x128xf32, #tpu.memory_space<hbm>> -> memref<253952x128xf32, #tpu.memory_space<hbm>>
    tpu.enqueue_indirect_dma source(%dma_start3A_1180 : memref<253952x128xf32, #tpu.memory_space<hbm>>) target(%dma_start3A_1175 : memref<128x128xf32, #tpu.memory_space<vmem>>) offsets(%dma_start3A_1177 : memref<128xi32, #tpu.memory_space<vmem>>) semaphore(%arg12 : memref<!tpu.dma_semaphore, #tpu.memory_space<semaphore_mem>>)
    %dma_wait3A_1181 = arith.constant 0 : i32
    %dma_wait3A_1182 = arith.constant 0 : i32
    %dma_wait3A_1183 = tpu.memref_slice %arg11[%dma_wait3A_1181, %dma_wait3A_1182] : memref<512x128xf32, #tpu.memory_space<vmem>> -> memref<128x128xf32, #tpu.memory_space<vmem>>
    %dma_wait3A_1184 = arith.constant 0 : i32
    %dma_wait3A_1185 = tpu.memref_slice %arg10[%dma_wait3A_1184] : memref<512xi32, #tpu.memory_space<vmem>> -> memref<128xi32, #tpu.memory_space<vmem>>
    %dma_wait3A_1186 = arith.constant 0 : i32
    %dma_wait3A_1187 = arith.constant 0 : i32
    %dma_wait3A_1188 = tpu.memref_slice %arg3[%dma_wait3A_1186, %dma_wait3A_1187] : memref<253952x128xf32, #tpu.memory_space<hbm>> -> memref<253952x128xf32, #tpu.memory_space<hbm>>
    tpu.wait_indirect_dma semaphore(%arg12 : memref<!tpu.dma_semaphore, #tpu.memory_space<semaphore_mem>>) src(%dma_wait3A_1188 : memref<253952x128xf32, #tpu.memory_space<hbm>>) dst(%dma_wait3A_1183 : memref<128x128xf32, #tpu.memory_space<vmem>>)
    %dma_wait3A_1189 = arith.constant 128 : i32
    %dma_wait3A_1190 = arith.constant 0 : i32
    %dma_wait3A_1191 = tpu.memref_slice %arg11[%dma_wait3A_1189, %dma_wait3A_1190] : memref<512x128xf32, #tpu.memory_space<vmem>> -> memref<128x128xf32, #tpu.memory_space<vmem>>
    %dma_wait3A_1192 = arith.constant 128 : i32
    %dma_wait3A_1193 = tpu.memref_slice %arg10[%dma_wait3A_1192] : memref<512xi32, #tpu.memory_space<vmem>> -> memref<128xi32, #tpu.memory_space<vmem>>
    %dma_wait3A_1194 = arith.constant 0 : i32
    %dma_wait3A_1195 = arith.constant 0 : i32
    %dma_wait3A_1196 = tpu.memref_slice %arg3[%dma_wait3A_1194, %dma_wait3A_1195] : memref<253952x128xf32, #tpu.memory_space<hbm>> -> memref<253952x128xf32, #tpu.memory_space<hbm>>
    tpu.wait_indirect_dma semaphore(%arg12 : memref<!tpu.dma_semaphore, #tpu.memory_space<semaphore_mem>>) src(%dma_wait3A_1196 : memref<253952x128xf32, #tpu.memory_space<hbm>>) dst(%dma_wait3A_1191 : memref<128x128xf32, #tpu.memory_space<vmem>>)
    %dma_wait3A_1197 = arith.constant 256 : i32
    %dma_wait3A_1198 = arith.constant 0 : i32
    %dma_wait3A_1199 = tpu.memref_slice %arg11[%dma_wait3A_1197, %dma_wait3A_1198] : memref<512x128xf32, #tpu.memory_space<vmem>> -> memref<128x128xf32, #tpu.memory_space<vmem>>
    %dma_wait3A_1200 = arith.constant 256 : i32
    %dma_wait3A_1201 = tpu.memref_slice %arg10[%dma_wait3A_1200] : memref<512xi32, #tpu.memory_space<vmem>> -> memref<128xi32, #tpu.memory_space<vmem>>
    %dma_wait3A_1202 = arith.constant 0 : i32
    %dma_wait3A_1203 = arith.constant 0 : i32
    %dma_wait3A_1204 = tpu.memref_slice %arg3[%dma_wait3A_1202, %dma_wait3A_1203] : memref<253952x128xf32, #tpu.memory_space<hbm>> -> memref<253952x128xf32, #tpu.memory_space<hbm>>
    tpu.wait_indirect_dma semaphore(%arg12 : memref<!tpu.dma_semaphore, #tpu.memory_space<semaphore_mem>>) src(%dma_wait3A_1204 : memref<253952x128xf32, #tpu.memory_space<hbm>>) dst(%dma_wait3A_1199 : memref<128x128xf32, #tpu.memory_space<vmem>>)
    %dma_wait3A_1205 = arith.constant 384 : i32
    %dma_wait3A_1206 = arith.constant 0 : i32
    %dma_wait3A_1207 = tpu.memref_slice %arg11[%dma_wait3A_1205, %dma_wait3A_1206] : memref<512x128xf32, #tpu.memory_space<vmem>> -> memref<128x128xf32, #tpu.memory_space<vmem>>
    %dma_wait3A_1208 = arith.constant 384 : i32
    %dma_wait3A_1209 = tpu.memref_slice %arg10[%dma_wait3A_1208] : memref<512xi32, #tpu.memory_space<vmem>> -> memref<128xi32, #tpu.memory_space<vmem>>
    %dma_wait3A_1210 = arith.constant 0 : i32
    %dma_wait3A_1211 = arith.constant 0 : i32
    %dma_wait3A_1212 = tpu.memref_slice %arg3[%dma_wait3A_1210, %dma_wait3A_1211] : memref<253952x128xf32, #tpu.memory_space<hbm>> -> memref<253952x128xf32, #tpu.memory_space<hbm>>
    tpu.wait_indirect_dma semaphore(%arg12 : memref<!tpu.dma_semaphore, #tpu.memory_space<semaphore_mem>>) src(%dma_wait3A_1212 : memref<253952x128xf32, #tpu.memory_space<hbm>>) dst(%dma_wait3A_1207 : memref<128x128xf32, #tpu.memory_space<vmem>>)
    "tpu.region"() ({
      %run_scoped3A = tpu.sem_alloc : memref<!tpu.dma_semaphore, #tpu.memory_space<semaphore_mem>>
      %dma_start3A_1213 = arith.constant 0 : i32
      %dma_start3A_1214 = tpu.memref_slice %arg7[%mul3A_2, %dma_start3A_1213] : memref<16384x128xf32, #tpu.memory_space<hbm>> -> memref<512x128xf32, #tpu.memory_space<hbm>>
      %dma_start3A_1215 = arith.constant 0 : i32
      %dma_start3A_1216 = tpu.memref_slice %arg7[%mul3A_2, %dma_start3A_1215] : memref<16384x128xf32, #tpu.memory_space<hbm>> -> memref<512x128xf32, #tpu.memory_space<hbm>>
      tpu.enqueue_dma source(%arg11 : memref<512x128xf32, #tpu.memory_space<vmem>>) target(%dma_start3A_1216 : memref<512x128xf32, #tpu.memory_space<hbm>>) target_semaphore(%run_scoped3A : memref<!tpu.dma_semaphore, #tpu.memory_space<semaphore_mem>>)
      %dma_wait3A_1217 = arith.constant 0 : i32
      %dma_wait3A_1218 = tpu.memref_slice %arg7[%mul3A_2, %dma_wait3A_1217] : memref<16384x128xf32, #tpu.memory_space<hbm>> -> memref<512x128xf32, #tpu.memory_space<hbm>>
      %dma_wait3A_1219 = arith.constant 0 : i32
      %dma_wait3A_1220 = tpu.memref_slice %arg7[%mul3A_2, %dma_wait3A_1219] : memref<16384x128xf32, #tpu.memory_space<hbm>> -> memref<512x128xf32, #tpu.memory_space<hbm>>
      tpu.wait_dma2 semaphore(%run_scoped3A : memref<!tpu.dma_semaphore, #tpu.memory_space<semaphore_mem>>) src(%arg11 : memref<512x128xf32, #tpu.memory_space<vmem>>) dst(%dma_wait3A_1220 : memref<512x128xf32, #tpu.memory_space<hbm>>)
      tpu.yield
    }) : () -> ()
    return
  }
}

module attributes {stable_mosaic.version = 14 : i64} {
  func.func @_pack_body(%arg0: i32, %arg1: memref<32x32768xf32, #tpu.memory_space<vmem>>, %arg2: memref<32x32768xf32, #tpu.memory_space<vmem>>, %arg3: memref<8192x128xf32, #tpu.memory_space<vmem>>, %arg4: memref<8192x128xf32, #tpu.memory_space<vmem>>) attributes {dimension_semantics = [#tpu.dimension_semantics<arbitrary>], iteration_bounds = array<i64: 31>, scalar_prefetch = 0 : i64, scratch_operands = 0 : i64, tpu.core_type = #tpu.core_type<tc>, window_params = [{transform_indices = @transform_0, window_bounds = array<i64: 32, 32768>}, {transform_indices = @transform_1, window_bounds = array<i64: 32, 32768>}, {transform_indices = @transform_2, window_bounds = array<i64: 8192, 128>}, {transform_indices = @transform_3, window_bounds = array<i64: 8192, 128>}]} {
    %get3A = arith.constant 0 : index
    %get3A_0 = arith.constant 0 : index
    %get3A_1 = vector.load %arg1[%get3A, %get3A_0] : memref<32x32768xf32, #tpu.memory_space<vmem>>, vector<32x32768xf32>
    %slice3A = vector.extract_strided_slice %get3A_1 {offsets = [0, 0], sizes = [32, 8192], strides = [1, 1]} : vector<32x32768xf32> to vector<32x8192xf32>
    %slice3A_2 = vector.extract_strided_slice %get3A_1 {offsets = [0, 8192], sizes = [32, 8192], strides = [1, 1]} : vector<32x32768xf32> to vector<32x8192xf32>
    %slice3A_3 = vector.extract_strided_slice %get3A_1 {offsets = [0, 16384], sizes = [32, 8192], strides = [1, 1]} : vector<32x32768xf32> to vector<32x8192xf32>
    %slice3A_4 = vector.extract_strided_slice %get3A_1 {offsets = [0, 24576], sizes = [32, 8192], strides = [1, 1]} : vector<32x32768xf32> to vector<32x8192xf32>
    %concatenate3A = tpu.concatenate %slice3A, %slice3A_2, %slice3A_3, %slice3A_4 in 0 : vector<32x8192xf32>, vector<32x8192xf32>, vector<32x8192xf32>, vector<32x8192xf32> -> vector<128x8192xf32>
    %transpose3A = tpu.transpose %concatenate3A, [1, 0] : vector<128x8192xf32> -> vector<8192x128xf32>
    %swap3A = arith.constant 0 : index
    %swap3A_5 = arith.constant 0 : index
    %swap3A_6 = vector.load %arg3[%swap3A, %swap3A_5] : memref<8192x128xf32, #tpu.memory_space<vmem>>, vector<8192x128xf32>
    tpu.vector_store %arg3[%swap3A, %swap3A_5], %transpose3A {strides = array<i32>} : memref<8192x128xf32, #tpu.memory_space<vmem>>, vector<8192x128xf32>,
    %get3A_7 = arith.constant 0 : index
    %get3A_8 = arith.constant 0 : index
    %get3A_9 = vector.load %arg2[%get3A_7, %get3A_8] : memref<32x32768xf32, #tpu.memory_space<vmem>>, vector<32x32768xf32>
    %slice3A_10 = vector.extract_strided_slice %get3A_9 {offsets = [0, 0], sizes = [32, 8192], strides = [1, 1]} : vector<32x32768xf32> to vector<32x8192xf32>
    %slice3A_11 = vector.extract_strided_slice %get3A_9 {offsets = [0, 8192], sizes = [32, 8192], strides = [1, 1]} : vector<32x32768xf32> to vector<32x8192xf32>
    %slice3A_12 = vector.extract_strided_slice %get3A_9 {offsets = [0, 16384], sizes = [32, 8192], strides = [1, 1]} : vector<32x32768xf32> to vector<32x8192xf32>
    %slice3A_13 = vector.extract_strided_slice %get3A_9 {offsets = [0, 24576], sizes = [32, 8192], strides = [1, 1]} : vector<32x32768xf32> to vector<32x8192xf32>
    %concatenate3A_14 = tpu.concatenate %slice3A_10, %slice3A_11, %slice3A_12, %slice3A_13 in 0 : vector<32x8192xf32>, vector<32x8192xf32>, vector<32x8192xf32>, vector<32x8192xf32> -> vector<128x8192xf32>
    %transpose3A_15 = tpu.transpose %concatenate3A_14, [1, 0] : vector<128x8192xf32> -> vector<8192x128xf32>
    %swap3A_16 = arith.constant 0 : index
    %swap3A_17 = arith.constant 0 : index
    %swap3A_18 = vector.load %arg4[%swap3A_16, %swap3A_17] : memref<8192x128xf32, #tpu.memory_space<vmem>>, vector<8192x128xf32>
    tpu.vector_store %arg4[%swap3A_16, %swap3A_17], %transpose3A_15 {strides = array<i32>} : memref<8192x128xf32, #tpu.memory_space<vmem>>, vector<8192x128xf32>,
    return
  }
  func.func @transform_0(%arg0: i32) -> (i32, i32) {
    %c0_i32 = arith.constant 0 : i32
    %c0_i32_0 = arith.constant 0 : i32
    return %c0_i32, %arg0 : i32, i32
  }
  func.func @transform_1(%arg0: i32) -> (i32, i32) {
    %c0_i32 = arith.constant 0 : i32
    %c0_i32_0 = arith.constant 0 : i32
    return %c0_i32, %arg0 : i32, i32
  }
  func.func @transform_2(%arg0: i32) -> (i32, i32) {
    %c0_i32 = arith.constant 0 : i32
    %c0_i32_0 = arith.constant 0 : i32
    return %arg0, %c0_i32 : i32, i32
  }
  func.func @transform_3(%arg0: i32) -> (i32, i32) {
    %c0_i32 = arith.constant 0 : i32
    %c0_i32_0 = arith.constant 0 : i32
    return %arg0, %c0_i32 : i32, i32
  }
}

module attributes {stable_mosaic.version = 14 : i64} {
  func.func @_mlp_body(%arg0: i32, %arg1: memref<4096x128xf32, #tpu.memory_space<vmem>>, %arg2: memref<4096x128xf32, #tpu.memory_space<vmem>>, %arg3: memref<4096x1xi32, #tpu.memory_space<vmem>>, %arg4: memref<4096x1xi32, #tpu.memory_space<vmem>>, %arg5: memref<128x64xf32, #tpu.memory_space<vmem>>, %arg6: memref<128x64xf32, #tpu.memory_space<vmem>>, %arg7: memref<1x64xf32, #tpu.memory_space<vmem>>, %arg8: memref<64x32xf32, #tpu.memory_space<vmem>>, %arg9: memref<1x32xf32, #tpu.memory_space<vmem>>, %arg10: memref<1x32xf32, #tpu.memory_space<vmem>>, %arg11: memref<1x1xf32, #tpu.memory_space<vmem>>, %arg12: memref<4096xf32, #tpu.memory_space<vmem>>) attributes {dimension_semantics = [#tpu.dimension_semantics<arbitrary>], iteration_bounds = array<i64: 4>, scalar_prefetch = 0 : i64, scratch_operands = 0 : i64, tpu.core_type = #tpu.core_type<tc>, window_params = [{transform_indices = @transform_0, window_bounds = array<i64: 4096, 128>}, {transform_indices = @transform_1, window_bounds = array<i64: 4096, 128>}, {transform_indices = @transform_2, window_bounds = array<i64: 4096, 1>}, {transform_indices = @transform_3, window_bounds = array<i64: 4096, 1>}, {pipeline_mode = #tpu.pipeline_mode<synchronous>, transform_indices = @transform_4, window_bounds = array<i64: 128, 64>}, {pipeline_mode = #tpu.pipeline_mode<synchronous>, transform_indices = @transform_5, window_bounds = array<i64: 128, 64>}, {pipeline_mode = #tpu.pipeline_mode<synchronous>, transform_indices = @transform_6, window_bounds = array<i64: 1, 64>}, {pipeline_mode = #tpu.pipeline_mode<synchronous>, transform_indices = @transform_7, window_bounds = array<i64: 64, 32>}, {pipeline_mode = #tpu.pipeline_mode<synchronous>, transform_indices = @transform_8, window_bounds = array<i64: 1, 32>}, {pipeline_mode = #tpu.pipeline_mode<synchronous>, transform_indices = @transform_9, window_bounds = array<i64: 1, 32>}, {pipeline_mode = #tpu.pipeline_mode<synchronous>, transform_indices = @transform_10, window_bounds = array<i64: 1, 1>}, {transform_indices = @transform_11, window_bounds = array<i64: 4096>}]} {
    %iota3A = tpu.iota {dimensions = array<i32: 1>} : vector<1x128xi32>
    %jit3A = arith.constant 32 : i32
    %div3A = vector.broadcast %jit3A : i32 to vector<1x128xi32>
    %div3A_0 = arith.divsi %iota3A, %div3A : vector<1x128xi32>
    %sign3A = arith.constant 0 : i32
    %sign3A_1 = vector.broadcast %sign3A : i32 to vector<1x128xi32>
    %sign3A_2 = arith.cmpi sgt, %iota3A, %sign3A_1 : vector<1x128xi32>
    %sign3A_3 = arith.extui %sign3A_2 : vector<1x128xi1> to vector<1x128xi32>
    %sign3A_4 = arith.constant 0 : i32
    %sign3A_5 = vector.broadcast %sign3A_4 : i32 to vector<1x128xi32>
    %sign3A_6 = arith.cmpi slt, %iota3A, %sign3A_5 : vector<1x128xi32>
    %sign3A_7 = arith.extui %sign3A_6 : vector<1x128xi1> to vector<1x128xi32>
    %sign3A_8 = arith.subi %sign3A_3, %sign3A_7 : vector<1x128xi32>
    %sign3A_9 = arith.constant 0 : i32
    %sign3A_10 = arith.cmpi sgt, %jit3A, %sign3A_9 : i32
    %sign3A_11 = arith.extui %sign3A_10 : i1 to i32
    %sign3A_12 = arith.constant 0 : i32
    %sign3A_13 = arith.cmpi slt, %jit3A, %sign3A_12 : i32
    %sign3A_14 = arith.extui %sign3A_13 : i1 to i32
    %sign3A_15 = arith.subi %sign3A_11, %sign3A_14 : i32
    %ne3A = vector.broadcast %sign3A_15 : i32 to vector<1x128xi32>
    %ne3A_16 = arith.cmpi ne, %sign3A_8, %ne3A : vector<1x128xi32>
    %rem3A = vector.broadcast %jit3A : i32 to vector<1x128xi32>
    %rem3A_17 = arith.remsi %iota3A, %rem3A : vector<1x128xi32>
    %ne3A_18 = arith.constant 0 : i32
    %ne3A_19 = vector.broadcast %ne3A_18 : i32 to vector<1x128xi32>
    %ne3A_20 = arith.cmpi ne, %rem3A_17, %ne3A_19 : vector<1x128xi32>
    %and3A = arith.andi %ne3A_16, %ne3A_20 : vector<1x128xi1>
    %sub3A = arith.constant 1 : i32
    %sub3A_21 = vector.broadcast %sub3A : i32 to vector<1x128xi32>
    %sub3A_22 = arith.subi %div3A_0, %sub3A_21 : vector<1x128xi32>
    %select_n3A = arith.select %and3A, %sub3A_22, %div3A_0 : vector<1x128xi1>, vector<1x128xi32>
    %get3A = arith.constant 0 : index
    %get3A_23 = arith.constant 0 : index
    %get3A_24 = vector.load %arg3[%get3A, %get3A_23] : memref<4096x1xi32, #tpu.memory_space<vmem>>, vector<4096x1xi32>
    %shift_right_logical3A = arith.constant 13 : i32
    %shift_right_logical3A_25 = vector.broadcast %shift_right_logical3A : i32 to vector<4096x1xi32>
    %shift_right_logical3A_26 = arith.shrui %get3A_24, %shift_right_logical3A_25 : vector<4096x1xi32>
    %and3A_27 = arith.constant 3 : i32
    %and3A_28 = vector.broadcast %and3A_27 : i32 to vector<4096x1xi32>
    %and3A_29 = arith.andi %shift_right_logical3A_26, %and3A_28 : vector<4096x1xi32>
    %get3A_30 = arith.constant 0 : index
    %get3A_31 = arith.constant 0 : index
    %get3A_32 = vector.load %arg4[%get3A_30, %get3A_31] : memref<4096x1xi32, #tpu.memory_space<vmem>>, vector<4096x1xi32>
    %shift_right_logical3A_33 = arith.constant 13 : i32
    %shift_right_logical3A_34 = vector.broadcast %shift_right_logical3A_33 : i32 to vector<4096x1xi32>
    %shift_right_logical3A_35 = arith.shrui %get3A_32, %shift_right_logical3A_34 : vector<4096x1xi32>
    %and3A_36 = arith.constant 3 : i32
    %and3A_37 = vector.broadcast %and3A_36 : i32 to vector<4096x1xi32>
    %and3A_38 = arith.andi %shift_right_logical3A_35, %and3A_37 : vector<4096x1xi32>
    %eq3A = vector.broadcast %select_n3A : vector<1x128xi32> to vector<4096x128xi32>
    %eq3A_39 = vector.broadcast %and3A_29 : vector<4096x1xi32> to vector<4096x128xi32>
    %eq3A_40 = arith.cmpi eq, %eq3A, %eq3A_39 : vector<4096x128xi32>
    %get3A_41 = arith.constant 0 : index
    %get3A_42 = arith.constant 0 : index
    %get3A_43 = vector.load %arg1[%get3A_41, %get3A_42] : memref<4096x128xf32, #tpu.memory_space<vmem>>, vector<4096x128xf32>
    %jit3A_44 = arith.constant 0.000000e+00 : f32
    %broadcast_in_dim3A = vector.broadcast %jit3A_44 : f32 to vector<4096x128xf32>
    %select_n3A_45 = arith.select %eq3A_40, %get3A_43, %broadcast_in_dim3A : vector<4096x128xi1>, vector<4096x128xf32>
    %eq3A_46 = vector.broadcast %select_n3A : vector<1x128xi32> to vector<4096x128xi32>
    %eq3A_47 = vector.broadcast %and3A_38 : vector<4096x1xi32> to vector<4096x128xi32>
    %eq3A_48 = arith.cmpi eq, %eq3A_46, %eq3A_47 : vector<4096x128xi32>
    %get3A_49 = arith.constant 0 : index
    %get3A_50 = arith.constant 0 : index
    %get3A_51 = vector.load %arg2[%get3A_49, %get3A_50] : memref<4096x128xf32, #tpu.memory_space<vmem>>, vector<4096x128xf32>
    %jit3A_52 = arith.constant 0.000000e+00 : f32
    %broadcast_in_dim3A_53 = vector.broadcast %jit3A_52 : f32 to vector<4096x128xf32>
    %select_n3A_54 = arith.select %eq3A_48, %get3A_51, %broadcast_in_dim3A_53 : vector<4096x128xi1>, vector<4096x128xf32>
    %get3A_55 = arith.constant 0 : index
    %get3A_56 = arith.constant 0 : index
    %get3A_57 = vector.load %arg5[%get3A_55, %get3A_56] : memref<128x64xf32, #tpu.memory_space<vmem>>, vector<128x64xf32>
    %dot_general3A = arith.constant dense<0.000000e+00> : vector<4096x64xf32>
    %dot_general3A_58 = tpu.matmul %select_n3A_45, %get3A_57, %dot_general3A {dimension_numbers = #tpu.dot_dimension_numbers<[1], [0], [0], [1], [0, 0, 1, 1], [], []>, transpose_lhs_hint = false} : vector<4096x128xf32>, vector<128x64xf32>, vector<4096x64xf32> -> vector<4096x64xf32>
    %get3A_59 = arith.constant 0 : index
    %get3A_60 = arith.constant 0 : index
    %get3A_61 = vector.load %arg6[%get3A_59, %get3A_60] : memref<128x64xf32, #tpu.memory_space<vmem>>, vector<128x64xf32>
    %dot_general3A_62 = arith.constant dense<0.000000e+00> : vector<4096x64xf32>
    %dot_general3A_63 = tpu.matmul %select_n3A_54, %get3A_61, %dot_general3A_62 {dimension_numbers = #tpu.dot_dimension_numbers<[1], [0], [0], [1], [0, 0, 1, 1], [], []>, transpose_lhs_hint = false} : vector<4096x128xf32>, vector<128x64xf32>, vector<4096x64xf32> -> vector<4096x64xf32>
    %add3A = arith.addf %dot_general3A_58, %dot_general3A_63 : vector<4096x64xf32>
    %get3A_64 = arith.constant 0 : index
    %get3A_65 = arith.constant 0 : index
    %get3A_66 = vector.load %arg7[%get3A_64, %get3A_65] : memref<1x64xf32, #tpu.memory_space<vmem>>, vector<1x64xf32>
    %add3A_67 = vector.broadcast %get3A_66 : vector<1x64xf32> to vector<4096x64xf32>
    %add3A_68 = arith.addf %add3A, %add3A_67 : vector<4096x64xf32>
    %max3A = arith.constant 0.000000e+00 : f32
    %max3A_69 = vector.broadcast %max3A : f32 to vector<4096x64xf32>
    %max3A_70 = arith.maximumf %add3A_68, %max3A_69 : vector<4096x64xf32>
    %get3A_71 = arith.constant 0 : index
    %get3A_72 = arith.constant 0 : index
    %get3A_73 = vector.load %arg8[%get3A_71, %get3A_72] : memref<64x32xf32, #tpu.memory_space<vmem>>, vector<64x32xf32>
    %dot_general3A_74 = arith.constant dense<0.000000e+00> : vector<4096x32xf32>
    %dot_general3A_75 = tpu.matmul %max3A_70, %get3A_73, %dot_general3A_74 {dimension_numbers = #tpu.dot_dimension_numbers<[1], [0], [0], [1], [0, 0, 1, 1], [], []>, transpose_lhs_hint = false} : vector<4096x64xf32>, vector<64x32xf32>, vector<4096x32xf32> -> vector<4096x32xf32>
    %get3A_76 = arith.constant 0 : index
    %get3A_77 = arith.constant 0 : index
    %get3A_78 = vector.load %arg9[%get3A_76, %get3A_77] : memref<1x32xf32, #tpu.memory_space<vmem>>, vector<1x32xf32>
    %add3A_79 = vector.broadcast %get3A_78 : vector<1x32xf32> to vector<4096x32xf32>
    %add3A_80 = arith.addf %dot_general3A_75, %add3A_79 : vector<4096x32xf32>
    %max3A_81 = arith.constant 0.000000e+00 : f32
    %max3A_82 = vector.broadcast %max3A_81 : f32 to vector<4096x32xf32>
    %max3A_83 = arith.maximumf %add3A_80, %max3A_82 : vector<4096x32xf32>
    %get3A_84 = arith.constant 0 : index
    %get3A_85 = arith.constant 0 : index
    %get3A_86 = vector.load %arg10[%get3A_84, %get3A_85] : memref<1x32xf32, #tpu.memory_space<vmem>>, vector<1x32xf32>
    %mul3A = vector.broadcast %get3A_86 : vector<1x32xf32> to vector<4096x32xf32>
    %mul3A_87 = arith.mulf %max3A_83, %mul3A : vector<4096x32xf32>
    %reduce_sum3A = arith.constant dense<0.000000e+00> : vector<4096xf32>
    %reduce_sum3A_88 = vector.multi_reduction <add>, %mul3A_87, %reduce_sum3A [1] : vector<4096x32xf32> to vector<4096xf32>
    %get3A_89 = arith.constant 0 : index
    %get3A_90 = arith.constant 0 : index
    %get3A_91 = vector.load %arg11[%get3A_89, %get3A_90] : memref<1x1xf32, #tpu.memory_space<vmem>>, vector<1x1xf32>
    %get3A_92 = vector.extract %get3A_91[0, 0] : f32 from vector<1x1xf32>
    %add3A_93 = vector.broadcast %get3A_92 : f32 to vector<4096xf32>
    %add3A_94 = arith.addf %reduce_sum3A_88, %add3A_93 : vector<4096xf32>
    %swap3A = arith.constant 0 : index
    %swap3A_95 = vector.load %arg12[%swap3A] : memref<4096xf32, #tpu.memory_space<vmem>>, vector<4096xf32>
    tpu.vector_store %arg12[%swap3A], %add3A_94 {strides = array<i32>} : memref<4096xf32, #tpu.memory_space<vmem>>, vector<4096xf32>,
    return
  }
  func.func @transform_0(%arg0: i32) -> (i32, i32) {
    %c0_i32 = arith.constant 0 : i32
    %c0_i32_0 = arith.constant 0 : i32
    return %arg0, %c0_i32 : i32, i32
  }
  func.func @transform_1(%arg0: i32) -> (i32, i32) {
    %c0_i32 = arith.constant 0 : i32
    %c0_i32_0 = arith.constant 0 : i32
    return %arg0, %c0_i32 : i32, i32
  }
  func.func @transform_2(%arg0: i32) -> (i32, i32) {
    %c0_i32 = arith.constant 0 : i32
    %c0_i32_0 = arith.constant 0 : i32
    return %arg0, %c0_i32 : i32, i32
  }
  func.func @transform_3(%arg0: i32) -> (i32, i32) {
    %c0_i32 = arith.constant 0 : i32
    %c0_i32_0 = arith.constant 0 : i32
    return %arg0, %c0_i32 : i32, i32
  }
  func.func @transform_4(%arg0: i32) -> (i32, i32) {
    %c0_i32 = arith.constant 0 : i32
    %c0_i32_0 = arith.constant 0 : i32
    %c0_i32_1 = arith.constant 0 : i32
    return %c0_i32, %c0_i32_0 : i32, i32
  }
  func.func @transform_5(%arg0: i32) -> (i32, i32) {
    %c0_i32 = arith.constant 0 : i32
    %c0_i32_0 = arith.constant 0 : i32
    %c0_i32_1 = arith.constant 0 : i32
    return %c0_i32, %c0_i32_0 : i32, i32
  }
  func.func @transform_6(%arg0: i32) -> (i32, i32) {
    %c0_i32 = arith.constant 0 : i32
    %c0_i32_0 = arith.constant 0 : i32
    %c0_i32_1 = arith.constant 0 : i32
    return %c0_i32, %c0_i32_0 : i32, i32
  }
  func.func @transform_7(%arg0: i32) -> (i32, i32) {
    %c0_i32 = arith.constant 0 : i32
    %c0_i32_0 = arith.constant 0 : i32
    %c0_i32_1 = arith.constant 0 : i32
    return %c0_i32, %c0_i32_0 : i32, i32
  }
  func.func @transform_8(%arg0: i32) -> (i32, i32) {
    %c0_i32 = arith.constant 0 : i32
    %c0_i32_0 = arith.constant 0 : i32
    %c0_i32_1 = arith.constant 0 : i32
    return %c0_i32, %c0_i32_0 : i32, i32
  }
  func.func @transform_9(%arg0: i32) -> (i32, i32) {
    %c0_i32 = arith.constant 0 : i32
    %c0_i32_0 = arith.constant 0 : i32
    %c0_i32_1 = arith.constant 0 : i32
    return %c0_i32, %c0_i32_0 : i32, i32
  }
  func.func @transform_10(%arg0: i32) -> (i32, i32) {
    %c0_i32 = arith.constant 0 : i32
    %c0_i32_0 = arith.constant 0 : i32
    %c0_i32_1 = arith.constant 0 : i32
    return %c0_i32, %c0_i32_0 : i32, i32
  }
  func.func @transform_11(%arg0: i32) -> i32 {
    %c0_i32 = arith.constant 0 : i32
    return %arg0 : i32
  }
}

</mosaic_0001>

<sc_bundles>
// kernel: kernel.5.cloned.1.call-start
scs
__scs_entry_jumppad:
0x0: {  	(pc) =	sbr.rel $0x88, $3  }
0x1: {  	(tag) =	ssettag $0x0;
	lr =	simm.s32 $0x1  }
0x2: {  	[smem:$0x3F97] =	sst lr;
	_ =	strace $0xD0000000  }
0x3: {  	_ = 	snop  }
0x4: {  	_ = 	snop  }
0x5: {  	_ = 	snop  }
0x6: {  	_ = 	snop  }
0x7: {  	_ = 	snop  }
__scs_overlays_trampoline_lowered:
0x8: {  	[smem:$0x3FA6] =	sst s0  }
0x9: {  	[smem:$0x3FA7] =	sst s1  }
0xa: {  	[smem:$0x3FA8] =	sst s2  }
0xb: {  	[smem:$0x3FA9] =	sst s3  }
0xc: {  	[smem:$0x3FAA] =	sst s4  }
0xd: {  	[smem:$0x3FAB] =	sst s5  }
0xe: {  	[smem:$0x3FAC] =	sst s6  }
0xf: {  	[smem:$0x3FAD] =	sst s7  }
0x10: {  	[smem:$0x3FAE] =	sst s8  }
0x11: {  	[smem:$0x3FAF] =	sst s9;
	s0 =	simm.s32 @!p0 $0x0  }
0x12: {  	s1 =	sld [smem:$0x3F95];
	s0 =	simm.s32 @p0 $0x1  }
0x13: {  	[smem:$0x3FB0] =	sst s0;
	s0 =	simm.s32 @!p1 $0x0  }
0x14: {  	s2 =	sld [smem:$0x3F94];
	s0 =	simm.s32 @p1 $0x1  }
0x15: {  	[smem:$0x3FB1] =	sst s0;
	s0 =	simm.s32 @!p2 $0x0  }
0x16: {  	s3 =	sld [smem:$0x3FDB];
	s0 =	simm.s32 @p2 $0x1  }
0x17: {  	s4 =	simm.s32 $0x1BF5;
	[smem:$0x3FB3] =	sst s0  }
0x18: {  	s0 =	sld [smem:$0x3F96];
	_ =	swait.ge [sflag:s4], $0x0  }
0x19: {  	s7 =	sld [smem:$0x3F97]  }
0x1a: {  	s8 =	sadd.s32 $0xFFFFE003, lr  }
0x1b: {  	s9 =	sadd.s32 $0xFFFFFEF7, lr;
	s5 =	simm.s32 $0xFFFFFFFF;
	p2 =	slt.u32 s8, $0xFFFFF086  }
0x1c: {  	p1 =	slt.u32 s9, $0xF7A;
	s5 =	simm.s32 @!p2 $0x0  }
0x1d: {  	s5 =	simm.s32 @p1 $0x1;
	p0 =	seq.s32 s7, s2  }
0x1e: {  	s7 =	smul.u32 @!p0 $0xF7A, s2;
	p2 =	seq.s32 @!p0 s5, $0x0  }
0x1f: {  	s9 =	smul.u32 $0xF7A, s1;
	s8 =	simm.s32 @!p0 $0x1BF5;
	p2 =	por !p2, p0  }
0x20: {  	[sflag:s8] =	ssyncset.s32 @!p0 $0xFFFFF086;
	s6 =	sadd.s32 @!p0 s3, s7;
	s7 =	simm.s32 @!p0 $0x108  }
0x21: {  	s3 =	sadd.s32 s3, s9;
	s6 =	sadd.s32 @!p0 $0x88, s6;
	s7 =	simm.s32 @p2 $0x1082  }
0x22: {  	[simem:s7], [sflag:s8] =	dma.local @!p0 [hbm:s6], $0xF7A  }
0x23: {  	s9 =	sor.u32 $0xD0000000, s2;
	s6 =	simm.s32 $0x108;
	_ =	swait.ge @!p0 [sflag:s8], $0x0  }
0x24: {  	s3 =	sadd.s32 $0x88, s3;
	s6 =	simm.s32 @!p1 $0x1082;
	[sflag:s4] =	ssyncset.s32 $0xFFFFF086  }
0x25: {  	[simem:s6], [sflag:s4] =	dma.local [hbm:s3], $0xF7A  }
0x26: {  	[smem:$0x3F97] =	sst s1;
	(tag) =	ssettag s2;
	_ =	strace s9  }
0x27: {  	s1 =	sld [smem:$0x3FA7]  }
0x28: {  	s2 =	sld [smem:$0x3FA8]  }
0x29: {  	s4 =	sld [smem:$0x3FAA]  }
0x2a: {  	p0 =	seq.s32 s5, $0x0;
	s5 =	sld [smem:$0x3FAB]  }
0x2b: {  	s6 =	sld [smem:$0x3FAC]  }
0x2c: {  	s7 =	sld [smem:$0x3FAD]  }
0x2d: {  	s3 =	simm.s32 $0x108;
	s8 =	sld [smem:$0x3FAE]  }
0x2e: {  	s3 =	simm.s32 @!p0 $0x1082;
	s9 =	sld [smem:$0x3FAF]  }
0x2f: {  	lr =	sadd.s32 s0, s3;
	s0 =	sld [smem:$0x3FA6]  }
0x30: {  	s3 =	sld [smem:$0x3FA9]  }
0x31: {  	[smem:$0x3FB2] =	sst s10  }
0x32: {  	s10 =	sld [smem:$0x3FB0];
	_ =	sdelay $0x3  }
0x33: {  	p0 =	seq.s32 s10, $0x1;
	s10 =	sld [smem:$0x3FB2];
	_ =	sdelay $0x3  }
0x34: {  	[smem:$0x3FB2] =	sst s10  }
0x35: {  	s10 =	sld [smem:$0x3FB1];
	_ =	sdelay $0x3  }
0x36: {  	p1 =	seq.s32 s10, $0x1;
	s10 =	sld [smem:$0x3FB2];
	_ =	sdelay $0x3  }
0x37: {  	[smem:$0x3FB2] =	sst s10  }
0x38: {  	s10 =	sld [smem:$0x3FB3]  }
0x39: {  	_ = 	snop;
	(pc) =	sbr.ind lr, $3  }
0x3a: {  	_ = 	snop  }
0x3b: {  	_ = 	snop  }
0x3c: {  	p2 =	seq.s32 s10, $0x1;
	s10 =	sld [smem:$0x3FB2]  }
0x3d: {  	_ =	shalt  }
0x3e: {  	_ =	shalt  }
0x3f: {  	_ =	shalt  }
0x40: {  	_ =	shalt  }
0x41: {  	_ =	shalt  }
0x42: {  	_ =	shalt  }
0x43: {  	_ =	shalt  }
0x44: {  	_ =	shalt  }
0x45: {  	_ =	shalt  }
0x46: {  	_ =	shalt  }
0x47: {  	_ =	shalt  }
0x48: {  	_ =	shalt  }
0x49: {  	_ =	shalt  }
0x4a: {  	_ =	shalt  }
0x4b: {  	_ =	shalt  }
0x4c: {  	_ =	shalt  }
0x4d: {  	_ =	shalt  }
0x4e: {  	_ =	shalt  }
0x4f: {  	_ =	shalt  }
0x50: {  	_ =	shalt  }
0x51: {  	_ =	shalt  }
0x52: {  	_ =	shalt  }
0x53: {  	_ =	shalt  }
0x54: {  	_ =	shalt  }
0x55: {  	_ =	shalt  }
0x56: {  	_ =	shalt  }
0x57: {  	_ =	shalt  }
0x58: {  	_ =	shalt  }
0x59: {  	_ =	shalt  }
0x5a: {  	_ =	shalt  }
0x5b: {  	_ =	shalt  }
0x5c: {  	_ =	shalt  }
0x5d: {  	_ =	shalt  }
0x5e: {  	_ =	shalt  }
0x5f: {  	_ =	shalt  }
0x60: {  	_ =	shalt  }
0x61: {  	_ =	shalt  }
0x62: {  	_ =	shalt  }
0x63: {  	_ =	shalt  }
0x64: {  	_ =	shalt  }
0x65: {  	_ =	shalt  }
0x66: {  	_ =	shalt  }
0x67: {  	_ =	shalt  }
0x68: {  	_ =	shalt  }
0x69: {  	_ =	shalt  }
0x6a: {  	_ =	shalt  }
0x6b: {  	_ =	shalt  }
0x6c: {  	_ =	shalt  }
0x6d: {  	_ =	shalt  }
0x6e: {  	_ =	shalt  }
0x6f: {  	_ =	shalt  }
0x70: {  	_ =	shalt  }
0x71: {  	_ =	shalt  }
0x72: {  	_ =	shalt  }
0x73: {  	_ =	shalt  }
0x74: {  	_ =	shalt  }
0x75: {  	_ =	shalt  }
0x76: {  	_ =	shalt  }
0x77: {  	_ =	shalt  }
0x78: {  	_ =	shalt  }
0x79: {  	_ =	shalt  }
0x7a: {  	_ =	shalt  }
0x7b: {  	_ =	shalt  }
0x7c: {  	_ =	shalt  }
0x7d: {  	_ =	shalt  }
0x7e: {  	_ =	shalt  }
0x7f: {  	_ =	shalt  }
0x80: {  	_ =	shalt  }
0x81: {  	_ =	shalt  }
0x82: {  	_ =	shalt  }
0x83: {  	_ =	shalt  }
0x84: {  	_ =	shalt  }
0x85: {  	_ =	shalt  }
0x86: {  	_ =	shalt  }
0x87: {  	_ =	shalt  }
.Lfunc_end0:
.L_simem_size_0:
called_computation_lowered:
.L_overlay_start_0:
0x88: {  	s2 =	sld [smem:$0x3FD9]  }
0x89: {  	s3 =	sld [smem:$0x3FFE];
	_ =	sdelay $0x1  }
0x8a: {  	s1 =	srdreg.scid  }
0x8b: {  	s0 =	sand.u32 $0x1, s1  }
0x8c: {  	s17 =	sshll.u32 s0, $0xA;
	s2 =	sadd.s32 s3, s2  }
0x8d: {  	s2 =	sadd.s32 s2, s17  }
0x8e: {  	[smem:$0x3FBE] =	sst s2  }
0x8f: {  	_ = 	snop  }
0x90: {  	s2 =	sld [smem:$0x3FC9]  }
0x91: {  	s18 =	sld [smem:$0x3FC8];
	(tm) =	ssettm $0x1  }
0x92: {  	s4 =	sld [smem:$0x3FFB];
	_ =	sdelay $0x3  }
0x93: {  	_ =	strace s4  }
0x94: {  	s4 =	sld [smem:$0x3FFC];
	_ =	sdelay $0x3  }
0x95: {  	_ =	strace s4  }
0x96: {  	s4 =	sld [smem:$0x3FFD];
	_ =	sdelay $0x3  }
0x97: {  	_ =	strace s4  }
0x98: {  	_ =	strace $0x8FFFFFFF  }
0x99: {  	s19 =	sld [smem:$0x3FDB];
	_ =	sdelay $0x1  }
0x9a: {  	s5 =	simm.s32 $_scs_section_size  }
0x9b: {  	s6 =	simm.s32 $_size__tile_overlayer_lowered;
	s7 =	simm.s32 $_tile_overlayer_lowered  }
0x9c: {  	s22 =	simm.s32 $0x1BFF;
	s21 =	sshll.u32 s7, $0x1;
	s4 =	sadd.s32 s5, s19  }
0x9d: {  	s8 =	simm.s32 $0x0;
	s20 =	sshll.u32 s6, $0x1;
	s6 =	sadd.s32 s21, s4  }
0x9e: {  	[timem:s8], [sflag:s22] =	dma.local [hbm:s6], s20  }
0x9f: {  	_ =	swait.ge [sflag:s22], s20  }
0xa0: {  	s5 =	ssub.s32 $0x0, s20;
	[sflag:s22] =	ssyncset.done $0x0  }
0xa1: {  	[sflag:s22] =	ssyncadd.s32 s5;
	_ =	sdelay $0x1  }
0xa2: {  	s23 =	simm.s32 $0x1B8B  }
0xa3: {  	_ =	swait.ge [sflag:s23], $0x1  }
0xa4: {  	[sflag:s23] =	ssyncset.done $0x0  }
0xa5: {  	s25 =	simm.s32 $0x1B8E;
	s24 =	sld [smem:$0x3FFE];
	[sflag:s23] =	ssyncadd.s32 $0xFFFFFFFF  }
0xa6: {  	s26 =	simm.s32 $execute0_lowered;
	[smem:$0x3FD2] =	sst s25  }
0xa7: {  	s6 =	sshll.u32 s26, $0x1;
	_ =	strace $0x80000046;
	[dreg:$0x1] =	wrdreg $0xFFFFFFFF  }
0xa8: {  	s28 =	simm.s32 $_size_execute0_lowered;
	s4 =	sadd.s32 s4, s6;
	[dreg:$0x0] =	wrdreg $0x0  }
0xa9: {  	s6 =	sshll.u32 s28, $0x1;
	[dreg:$0x2] =	wrdreg s4  }
0xaa: {  	[dreg:$0x3] =	wrdreg s6  }
0xab: {  	[dreg:$0x4] =	wrdreg $0xC0  }
0xac: {  	_ =	task [dreg:s8], $0x5FFFF  }
0xad: {  	[dreg:$0x1] =	wrdreg $0xFFFFFFFF  }
0xae: {  	[dreg:$0x0] =	wrdreg $0x60  }
0xaf: {  	[dreg:$0x2] =	wrdreg s24  }
0xb0: {  	[dreg:$0x3] =	wrdreg s2  }
0xb1: {  	[dreg:$0x4] =	wrdreg s18  }
0xb2: {  	[dreg:$0x5] =	wrdreg $0x9  }
0xb3: {  	_ =	task.clear_ibuf [dreg:s8], $0x6FFFF;
	_ =	strace $0x90000046  }
0xb4: {  	s29 =	simm.s32 $0x9;
	_ =	strace $0x80000048  }
0xb5: {  	_ =	swait.ge [sflag:s29], $0x1  }
0xb6: {  	[sflag:s29] =	ssyncadd.s32 $0xFFFFFFFF  }
0xb7: {  	_ =	strace $0x90000048  }
0xb8: {  	_ =	sfence  }
0xb9: {  	s30 =	sld [smem:$0x0];
	_ =	sdelay $0x2  }
0xba: {  	s31 =	sshll.u32 s1, $0xD;
	s1 =	sshrl.u32 s1, $0x2  }
0xbb: {  	s3 =	sand.u32 $0x4000, s31;
	s1 =	sadd.s32 s1, s30  }
0xbc: {  	s0 =	sor.u32 s3, s0;
	s1 =	sshll.u32 s1, $0x11  }
0xbd: {  	s0 =	sor.u32 s1, s0  }
0xbe: {  	s0 =	sadd.s32 $0x8F2B, s0  }
0xbf: {  	[sflag:s0] =	ssyncadd.remote.s32 $0x1  }
0xc0: {  	_ =	sfence.sel $0xFFFF  }
0xc1: {  	[dreg:$0x0] =	wrdreg $0xFFFFFFFF;
	(pc) =	sbr.abs _section_cstart, $3  }
0xc2: {  	[dreg:$0x1] =	wrdreg $0xFFFFFFFF  }
0xc3: {  	_ =	task.clear_ibuf [dreg:s8], $0x2FFFF;
	_ =	strace $0x9FFFFFFF  }
0xc4: {  	(tm) =	ssettm $0x7FFFFFFF  }
0xc5: {  	_ =	shalt  }
tec
execute0_lowered:
.L_overlay_start_1:
0x0: {  	(tag) =	ssettag $0x1  }
0x1: {  	s5 =	rddreg [dreg:$0x0]  }
0x2: {  	s6 =	rddreg [dreg:$0x1]  }
0x3: {  	s7 =	rddreg [dreg:$0x2]  }
0x4: {  	s0 =	rddreg [dreg:$0x3];
	s3 =	srdreg.scid  }
0x5: {  	s2 =	simm.s32 $0x0;
	s1 =	stileid.u32;
	s12 =	simm.s32 $0x80  }
0x6: {  	s13 =	simm.s32 $0x400;
	s14 =	simm.s32 $0x600;
	s15 =	simm.s32 $0x480  }
0x7: {  	s16 =	simm.s32 $0x4600;
	s17 =	simm.s32 $0x500;
	s18 =	simm.s32 $0x8600  }
0x8: {  	s19 =	simm.s32 $0x580;
	s20 =	simm.s32 $0xC600;
	s21 =	simm.s32 $0x1  }
0x9: {  	s8 =	sand.u32 $0x1, s3;
	[smem:$0x7FF] =	sst s2;
	s4 =	sshll.u32 s1, $0xA  }
0xa: {  	s3 =	sadd.s32 $0x2000, s5;
	s9 =	sshll.u32 s8, $0x9;
	_ =	strace $0x80000047  }
0xb: {  	s8 =	ssub.s32 $0x2, s8;
	s9 =	sor.u32 s9, s4;
	s4 =	sadd.s32 $0x3E2000, s5  }
0xc: {  	s31 =	sshrl.u32 s8, $0x1;
	s10 =	sshll.u32 s9, $0x4;
	s9 =	sshrl.u32 s9, $0x3  }
0xd: {  	s11 =	ssub.s32 s8, s31;
	s10 =	sadd.s32 s10, s5;
	s5 =	sadd.s32 s6, s9  }
0xe: {  	s6 =	sadd.s32 s7, s9;
	s9 =	smax.u32 s11, $0x1;
	s11 =	simm.s32 $0x200  }
0xf: {  	s7 =	sadd.s32 $0x7C2000, s10;
	s8 =	sadd.s32 $0x802000, s10;
	s10 =	simm.s32 $0x2  }
.LBB2_1:
0x10: {  	[tilespmem:s2], [sflag:$0x2] =	stream.linear.gather [hbm4b:s5+s2], $0x200, $0x38;
	[tilespmem:$0x10600] =	vst v63  }
0x11: {  	_ =	swait.ge [sflag:s10], $0x200  }
0x12: {  	[sflag:s10] =	ssyncset.done $0x0  }
0x13: {  	[sflag:s10] =	ssyncadd.s32 $0xFFFFFE00  }
0x14: {  	[tilespmem:s11], [sflag:$0x2] =	stream.linear.gather [hbm4b:s6+s2], $0x200, $0x38;
	[tilespmem:$0x10600] =	vst v63  }
0x15: {  	_ =	swait.ge [sflag:s10], $0x200  }
0x16: {  	[sflag:s10] =	ssyncset.done $0x0  }
0x17: {  	[sflag:s10] =	ssyncadd.s32 $0xFFFFFE00  }
0x18: {  	v0 =	vld [tilespmem:$0x0]  }
0x19: {  	v1 =	vld [tilespmem:$0x10]  }
0x1a: {  	v2 =	vld [tilespmem:$0x20]  }
0x1b: {  	v3 =	vld [tilespmem:$0x30]  }
0x1c: {  	v5 =	vld [tilespmem:$0x40]  }
0x1d: {  	v7 =	vld [tilespmem:$0x50]  }
0x1e: {  	v8 =	vld [tilespmem:$0x60]  }
0x1f: {  	v43 =	vld [tilespmem:$0x70]  }
0x20: {  	v10 =	vld [tilespmem:$0x80]  }
0x21: {  	v11 =	vld [tilespmem:$0x90]  }
0x22: {  	v48 =	vld [tilespmem:$0xA0]  }
0x23: {  	v13 =	vld [tilespmem:$0xB0];
	v4 =	vshrl.u32 v0, $0x2  }
0x24: {  	v14 =	vld [tilespmem:$0xC0];
	v0 =	vand.u32 $0x1FFF, v0;
	v6 =	vshrl.u32 v1, $0x2;
	v41 =	vshrl.u32 v2, $0x2  }
0x25: {  	v53 =	vld [tilespmem:$0xD0];
	v1 =	vand.u32 $0x1FFF, v1;
	v2 =	vand.u32 $0x1FFF, v2;
	v42 =	vshrl.u32 v3, $0x2  }
0x26: {  	v15 =	vld [tilespmem:$0xE0];
	v3 =	vand.u32 $0x1FFF, v3;
	v9 =	vshrl.u32 v5, $0x2;
	v45 =	vshrl.u32 v7, $0x2  }
0x27: {  	v62 =	vld [tilespmem:$0xF0];
	v5 =	vand.u32 $0x1FFF, v5;
	v7 =	vand.u32 $0x1FFF, v7;
	v47 =	vshrl.u32 v8, $0x2  }
0x28: {  	v17 =	vld [tilespmem:$0x100];
	v8 =	vand.u32 $0x1FFF, v8;
	v12 =	vshrl.u32 v43, $0x2;
	v50 =	vshrl.u32 v10, $0x2  }
0x29: {  	v20 =	vld [tilespmem:$0x110];
	v10 =	vand.u32 $0x1FFF, v10;
	v52 =	vshrl.u32 v11, $0x2;
	v55 =	vand.u32 $0x1FFF, v11  }
0x2a: {  	v56 =	vshrl.u32 v48, $0x2;
	v58 =	vshrl.u32 v13, $0x2;
	v59 =	vand.u32 $0x1FFF, v48  }
0x2b: {  	v61 =	vand.u32 $0x1FFF, v13;
	v16 =	vshrl.u32 v14, $0x2;
	v18 =	vand.u32 $0x1FFF, v14  }
0x2c: {  	v19 =	vshrl.u32 v53, $0x2;
	v22 =	vshrl.u32 v15, $0x2;
	v23 =	vand.u32 $0x1FFF, v53  }
0x2d: {  	v24 =	vand.u32 $0x1FFF, v15;
	v26 =	vshrl.u32 v62, $0x2;
	v28 =	vand.u32 $0x1FFF, v62  }
0x2e: {  	v25 =	vld [tilespmem:$0x120];
	v29 =	vshrl.u32 v17, $0x2;
	v33 =	vshrl.u32 v20, $0x2;
	v4 =	vand.u32 $0x3FFFE000, v4  }
0x2f: {  	v34 =	vand.u32 $0x1FFF, v17;
	v40 =	vand.u32 $0x3FFFE000, v6;
	v0 =	vor.u32 v0, v4  }
0x30: {  	v35 =	vand.u32 $0x1FFF, v20;
	v6 =	vand.u32 $0x3FFFE000, v41;
	v1 =	vor.u32 v1, v40;
	[tilespmem:$0x400] =	vst v0  }
0x31: {  	v44 =	vand.u32 $0x3FFFE000, v9;
	v9 =	vand.u32 $0x3FFFE000, v45;
	v2 =	vor.u32 v2, v6;
	[tilespmem:$0x410] =	vst v1  }
0x32: {  	v49 =	vand.u32 $0x3FFFE000, v12;
	v12 =	vand.u32 $0x3FFFE000, v50;
	v46 =	vor.u32 v7, v9;
	[tilespmem:$0x420] =	vst v2  }
0x33: {  	v30 =	vld [tilespmem:$0x140];
	v38 =	vshrl.u32 v25, $0x2;
	v60 =	vand.u32 $0x3FFFE000, v58;
	v51 =	vor.u32 v10, v12;
	[tilespmem:$0x450] =	vst v46  }
0x34: {  	v27 =	vld [tilespmem:$0x130];
	v54 =	vand.u32 $0x3FFFE000, v52;
	v4 =	vand.u32 $0x3FFFE000, v42;
	v63 =	vor.u32 v61, v60;
	[tilespmem:$0x480] =	vst v51  }
0x35: {  	v57 =	vand.u32 $0x3FFFE000, v56;
	v21 =	vand.u32 $0x3FFFE000, v19;
	v3 =	vor.u32 v3, v4;
	[tilespmem:$0x4B0] =	vst v63  }
0x36: {  	v32 =	vand.u32 $0x3FFFE000, v29;
	v7 =	vand.u32 $0x3FFFE000, v47;
	v4 =	vor.u32 v5, v44;
	[tilespmem:$0x430] =	vst v3  }
0x37: {  	v36 =	vld [tilespmem:$0x150];
	v41 =	vand.u32 $0x1FFF, v25;
	v6 =	vand.u32 $0x1FFF, v43;
	v7 =	vor.u32 v8, v7;
	[tilespmem:$0x440] =	vst v4  }
0x38: {  	v39 =	vld [tilespmem:$0x160];
	v45 =	vshrl.u32 v30, $0x2;
	v40 =	vand.u32 $0x3FFFE000, v38;
	v6 =	vor.u32 v6, v49;
	[tilespmem:$0x460] =	vst v7  }
0x39: {  	v42 =	vshrl.u32 v27, $0x2;
	v47 =	vand.u32 $0x1FFF, v30;
	v0 =	vor.u32 v55, v54;
	[tilespmem:$0x470] =	vst v6  }
0x3a: {  	v1 =	vor.u32 v59, v57;
	v5 =	vand.u32 $0x3FFFE000, v22;
	v8 =	vand.u32 $0x3FFFE000, v33;
	[tilespmem:$0x490] =	vst v0  }
0x3b: {  	v44 =	vand.u32 $0x3FFFE000, v42;
	v46 =	vand.u32 $0x1FFF, v27;
	v4 =	vor.u32 v23, v21;
	[tilespmem:$0x4A0] =	vst v1  }
0x3c: {  	v48 =	vld [tilespmem:$0x180];
	v51 =	vshrl.u32 v36, $0x2;
	v54 =	vand.u32 $0x1FFF, v36;
	v5 =	vor.u32 v24, v5;
	[tilespmem:$0x4D0] =	vst v4  }
0x3d: {  	v13 =	vld [tilespmem:$0x1C0];
	v55 =	vshrl.u32 v39, $0x2;
	v59 =	vand.u32 $0x1FFF, v39;
	v1 =	vor.u32 v34, v32;
	[tilespmem:$0x4E0] =	vst v5  }
0x3e: {  	v52 =	vld [tilespmem:$0x190];
	v3 =	vand.u32 $0x3FFFE000, v16;
	v6 =	vand.u32 $0x3FFFE000, v26;
	v37 =	vor.u32 v35, v8;
	[tilespmem:$0x500] =	vst v1  }
0x3f: {  	v56 =	vld [tilespmem:$0x1A0];
	v49 =	vor.u32 v46, v44;
	v53 =	vand.u32 $0x3FFFE000, v51;
	v57 =	vand.u32 $0x3FFFE000, v55;
	[tilespmem:$0x510] =	vst v37  }
0x40: {  	v25 =	vld [tilespmem:$0x1F0];
	v3 =	vor.u32 v18, v3;
	v31 =	vor.u32 v28, v6;
	v6 =	vand.u32 $0x3FFFE000, v45;
	[tilespmem:$0x530] =	vst v49  }
0x41: {  	v43 =	vld [tilespmem:$0x170];
	v1 =	vor.u32 v54, v53;
	v62 =	vor.u32 v59, v57;
	v12 =	vshrl.u32 v48, $0x2;
	[tilespmem:$0x4C0] =	vst v3  }
0x42: {  	v14 =	vand.u32 $0x1FFF, v48;
	v28 =	vshrl.u32 v13, $0x2;
	v32 =	vand.u32 $0x1FFF, v13;
	[tilespmem:$0x4F0] =	vst v31  }
0x43: {  	v61 =	vld [tilespmem:$0x1B0];
	v3 =	vor.u32 v41, v40;
	v50 =	vor.u32 v47, v6;
	v15 =	vshrl.u32 v52, $0x2;
	[tilespmem:$0x550] =	vst v1  }
0x44: {  	v19 =	vshrl.u32 v56, $0x2;
	[tilespmem:$0x560] =	vst v62;
	v20 =	vand.u32 $0x1FFF, v52;
	v21 =	vand.u32 $0x1FFF, v56  }
0x45: {  	v30 =	vand.u32 $0x3FFFE000, v28;
	v39 =	vshrl.u32 v25, $0x2;
	v41 =	vand.u32 $0x1FFF, v25;
	[tilespmem:$0x520] =	vst v3  }
0x46: {  	v22 =	vld [tilespmem:$0x1E0];
	v58 =	vshrl.u32 v43, $0x2;
	[tilespmem:$0x540] =	vst v50;
	v3 =	vand.u32 $0x3FFFE000, v12;
	v34 =	vor.u32 v32, v30  }
0x47: {  	v16 =	vld [tilespmem:$0x1D0];
	v60 =	vand.u32 $0x1FFF, v43;
	v18 =	vand.u32 $0x3FFFE000, v15;
	v17 =	vor.u32 v14, v3;
	[tilespmem:$0x5C0] =	vst v34  }
0x48: {  	v4 =	vand.u32 $0x3FFFE000, v19;
	v24 =	vshrl.u32 v61, $0x2;
	v0 =	vor.u32 v20, v18;
	[tilespmem:$0x580] =	vst v17  }
0x49: {  	v27 =	vand.u32 $0x1FFF, v61;
	v40 =	vand.u32 $0x3FFFE000, v39;
	v23 =	vor.u32 v21, v4;
	[tilespmem:$0x590] =	vst v0  }
0x4a: {  	v5 =	vand.u32 $0x3FFFE000, v58;
	v26 =	vand.u32 $0x3FFFE000, v24;
	v42 =	vor.u32 v41, v40;
	[tilespmem:$0x5A0] =	vst v23  }
0x4b: {  	v36 =	vshrl.u32 v22, $0x2;
	v38 =	vand.u32 $0x1FFF, v22;
	v63 =	vor.u32 v60, v5;
	[tilespmem:$0x5F0] =	vst v42  }
0x4c: {  	v29 =	vor.u32 v27, v26;
	v31 =	vshrl.u32 v16, $0x2;
	v37 =	vand.u32 $0x3FFFE000, v36;
	[tilespmem:$0x570] =	vst v63  }
0x4d: {  	v33 =	vand.u32 $0x1FFF, v16;
	v3 =	vand.u32 $0x3FFFE000, v31;
	[tilespmem:$0x5B0] =	vst v29;
	v0 =	vor.u32 v38, v37  }
0x4e: {  	v35 =	vor.u32 v33, v3;
	[tilespmem:$0x5E0] =	vst v0  }
0x4f: {  	[tilespmem:$0x5D0] =	vst v35  }
0x50: {  	[tilespmem:s14], [sflag:$0x1] =	stream.indirect.gather [hbm4b:s3+s12], $0x80, s13, s12, $0xb8;
	[tilespmem:$0x10600] =	vst v63  }
0x51: {  	_ = 	snop  }
0x52: {  	[tilespmem:s16], [sflag:$0x1] =	stream.indirect.gather [hbm4b:s3+s12], $0x80, s15, s12, $0xb8;
	[tilespmem:$0x10600] =	vst v63  }
0x53: {  	_ = 	snop  }
0x54: {  	[tilespmem:s18], [sflag:$0x1] =	stream.indirect.gather [hbm4b:s3+s12], $0x80, s17, s12, $0xb8;
	[tilespmem:$0x10600] =	vst v63  }
0x55: {  	_ = 	snop  }
0x56: {  	[tilespmem:s20], [sflag:$0x1] =	stream.indirect.gather [hbm4b:s3+s12], $0x80, s19, s12, $0xb8;
	[tilespmem:$0x10600] =	vst v63  }
0x57: {  	_ =	swait.ge [sflag:s21], $0x4000  }
0x58: {  	[sflag:s21] =	ssyncset.done $0x0  }
0x59: {  	[sflag:s21] =	ssyncadd.s32 $0xFFFFC000  }
0x5a: {  	_ =	swait.ge [sflag:s21], $0x4000  }
0x5b: {  	[sflag:s21] =	ssyncset.done $0x0  }
0x5c: {  	[sflag:s21] =	ssyncadd.s32 $0xFFFFC000  }
0x5d: {  	_ =	swait.ge [sflag:s21], $0x4000  }
0x5e: {  	[sflag:s21] =	ssyncset.done $0x0  }
0x5f: {  	[sflag:s21] =	ssyncadd.s32 $0xFFFFC000  }
0x60: {  	_ =	swait.ge [sflag:s21], $0x4000  }
0x61: {  	[sflag:s21] =	ssyncset.done $0x0  }
0x62: {  	[sflag:s21] =	ssyncadd.s32 $0xFFFFC000  }
0x63: {  	[hbm4b:s7+s2] =	stream.linear.scatter [tilespmem:s14], [sflag:$0x2], $0x10000, $0x38;
	[tilespmem:$0x10600] =	vst v63  }
0x64: {  	_ =	swait.ge [sflag:s10], $0x10000  }
0x65: {  	[sflag:s10] =	ssyncset.done $0x0  }
0x66: {  	[sflag:s10] =	ssyncadd.s32 $0xFFFF0000  }
0x67: {  	v43 =	vld [tilespmem:$0x200]  }
0x68: {  	v44 =	vld [tilespmem:$0x210]  }
0x69: {  	v45 =	vld [tilespmem:$0x220]  }
0x6a: {  	v46 =	vld [tilespmem:$0x230]  }
0x6b: {  	v48 =	vld [tilespmem:$0x240]  }
0x6c: {  	v50 =	vld [tilespmem:$0x250]  }
0x6d: {  	v53 =	vld [tilespmem:$0x260]  }
0x6e: {  	v55 =	vld [tilespmem:$0x270]  }
0x6f: {  	v57 =	vld [tilespmem:$0x280]  }
0x70: {  	v60 =	vld [tilespmem:$0x290]  }
0x71: {  	v63 =	vld [tilespmem:$0x2A0];
	v47 =	vshrl.u32 v43, $0x2  }
0x72: {  	v18 =	vld [tilespmem:$0x2B0];
	v0 =	vand.u32 $0x1FFF, v43;
	v49 =	vshrl.u32 v44, $0x2;
	v52 =	vshrl.u32 v45, $0x2  }
0x73: {  	v21 =	vld [tilespmem:$0x2C0];
	v1 =	vand.u32 $0x1FFF, v44;
	v2 =	vand.u32 $0x1FFF, v45;
	v54 =	vshrl.u32 v46, $0x2  }
0x74: {  	v24 =	vld [tilespmem:$0x2D0];
	v3 =	vand.u32 $0x1FFF, v46;
	v56 =	vshrl.u32 v48, $0x2;
	v59 =	vshrl.u32 v50, $0x2  }
0x75: {  	v28 =	vld [tilespmem:$0x2E0];
	v5 =	vand.u32 $0x1FFF, v48;
	v7 =	vand.u32 $0x1FFF, v50;
	v62 =	vshrl.u32 v53, $0x2  }
0x76: {  	v34 =	vld [tilespmem:$0x2F0];
	v8 =	vand.u32 $0x1FFF, v53;
	v17 =	vshrl.u32 v55, $0x2;
	v20 =	vshrl.u32 v57, $0x2  }
0x77: {  	v40 =	vld [tilespmem:$0x310];
	v10 =	vand.u32 $0x1FFF, v57;
	v23 =	vshrl.u32 v60, $0x2;
	v26 =	vand.u32 $0x1FFF, v60  }
0x78: {  	v27 =	vshrl.u32 v63, $0x2;
	v30 =	vshrl.u32 v18, $0x2;
	v31 =	vand.u32 $0x1FFF, v63  }
0x79: {  	v33 =	vand.u32 $0x1FFF, v18;
	v36 =	vshrl.u32 v21, $0x2;
	v38 =	vand.u32 $0x1FFF, v21  }
0x7a: {  	v39 =	vshrl.u32 v24, $0x2;
	v42 =	vshrl.u32 v28, $0x2;
	v43 =	vand.u32 $0x1FFF, v24  }
0x7b: {  	v44 =	vand.u32 $0x1FFF, v28;
	v46 =	vshrl.u32 v34, $0x2;
	v48 =	vand.u32 $0x1FFF, v34  }
0x7c: {  	v37 =	vld [tilespmem:$0x300];
	v53 =	vshrl.u32 v40, $0x2;
	v4 =	vand.u32 $0x3FFFE000, v47;
	v51 =	vand.u32 $0x3FFFE000, v49  }
0x7d: {  	v6 =	vand.u32 $0x3FFFE000, v52;
	v58 =	vand.u32 $0x3FFFE000, v56;
	v0 =	vor.u32 v0, v4  }
0x7e: {  	v9 =	vand.u32 $0x3FFFE000, v59;
	v19 =	vand.u32 $0x3FFFE000, v17;
	v1 =	vor.u32 v1, v51;
	[tilespmem:$0x400] =	vst v0  }
0x7f: {  	v12 =	vand.u32 $0x3FFFE000, v20;
	v25 =	vand.u32 $0x3FFFE000, v23;
	v2 =	vor.u32 v2, v6;
	[tilespmem:$0x410] =	vst v1  }
0x80: {  	v29 =	vand.u32 $0x3FFFE000, v27;
	v32 =	vand.u32 $0x3FFFE000, v30;
	v61 =	vor.u32 v7, v9;
	[tilespmem:$0x420] =	vst v2  }
0x81: {  	v41 =	vand.u32 $0x3FFFE000, v39;
	v49 =	vshrl.u32 v37, $0x2;
	v22 =	vor.u32 v10, v12;
	[tilespmem:$0x450] =	vst v61  }
0x82: {  	v4 =	vand.u32 $0x3FFFE000, v54;
	v7 =	vand.u32 $0x3FFFE000, v62;
	v35 =	vor.u32 v33, v32;
	[tilespmem:$0x480] =	vst v22  }
0x83: {  	v45 =	vld [tilespmem:$0x320];
	v6 =	vand.u32 $0x1FFF, v55;
	v52 =	vand.u32 $0x3FFFE000, v49;
	v3 =	vor.u32 v3, v4;
	[tilespmem:$0x4B0] =	vst v35  }
0x84: {  	v50 =	vld [tilespmem:$0x340];
	v54 =	vand.u32 $0x1FFF, v37;
	v55 =	vand.u32 $0x1FFF, v40;
	v4 =	vor.u32 v5, v58;
	[tilespmem:$0x430] =	vst v3  }
0x85: {  	v63 =	vld [tilespmem:$0x370];
	v7 =	vor.u32 v8, v7;
	v6 =	vor.u32 v6, v19;
	v0 =	vor.u32 v26, v25;
	[tilespmem:$0x440] =	vst v4  }
0x86: {  	v21 =	vld [tilespmem:$0x390];
	v1 =	vor.u32 v31, v29;
	v5 =	vand.u32 $0x3FFFE000, v42;
	v8 =	vand.u32 $0x3FFFE000, v53;
	[tilespmem:$0x460] =	vst v7  }
0x87: {  	v34 =	vld [tilespmem:$0x3C0];
	v3 =	vand.u32 $0x3FFFE000, v36;
	[tilespmem:$0x470] =	vst v6;
	v4 =	vor.u32 v43, v41;
	v5 =	vor.u32 v44, v5  }
0x88: {  	v47 =	vld [tilespmem:$0x330];
	v6 =	vand.u32 $0x3FFFE000, v46;
	[tilespmem:$0x4A0] =	vst v1;
	v1 =	vor.u32 v54, v52;
	v57 =	vor.u32 v55, v8  }
0x89: {  	v56 =	vld [tilespmem:$0x350];
	[tilespmem:$0x490] =	vst v0;
	v3 =	vor.u32 v38, v3;
	v51 =	vor.u32 v48, v6;
	v58 =	vshrl.u32 v45, $0x2  }
0x8a: {  	v59 =	vld [tilespmem:$0x360];
	v61 =	vand.u32 $0x1FFF, v45;
	[tilespmem:$0x4D0] =	vst v4;
	v14 =	vshrl.u32 v50, $0x2;
	v16 =	vand.u32 $0x1FFF, v50  }
0x8b: {  	v17 =	vld [tilespmem:$0x380];
	[tilespmem:$0x4E0] =	vst v5;
	v27 =	vshrl.u32 v63, $0x2;
	v29 =	vand.u32 $0x1FFF, v63;
	v36 =	vshrl.u32 v21, $0x2  }
0x8c: {  	[tilespmem:$0x500] =	vst v1;
	v41 =	vand.u32 $0x1FFF, v21;
	v49 =	vshrl.u32 v34, $0x2;
	v53 =	vand.u32 $0x1FFF, v34  }
0x8d: {  	v30 =	vld [tilespmem:$0x3B0];
	[tilespmem:$0x510] =	vst v57;
	v60 =	vand.u32 $0x3FFFE000, v58;
	v62 =	vshrl.u32 v47, $0x2;
	v15 =	vand.u32 $0x1FFF, v47  }
0x8e: {  	[tilespmem:$0x4C0] =	vst v3;
	v6 =	vand.u32 $0x3FFFE000, v14;
	v20 =	vshrl.u32 v56, $0x2;
	v23 =	vand.u32 $0x1FFF, v56  }
0x8f: {  	[tilespmem:$0x4F0] =	vst v51;
	v24 =	vshrl.u32 v59, $0x2;
	v28 =	vand.u32 $0x1FFF, v59;
	v3 =	vor.u32 v61, v60  }
0x90: {  	v37 =	vld [tilespmem:$0x3D0];
	v5 =	vand.u32 $0x3FFFE000, v27;
	v33 =	vshrl.u32 v17, $0x2;
	v19 =	vor.u32 v16, v6;
	[tilespmem:$0x520] =	vst v3  }
0x91: {  	v35 =	vand.u32 $0x1FFF, v17;
	v39 =	vand.u32 $0x3FFFE000, v36;
	v32 =	vor.u32 v29, v5;
	[tilespmem:$0x540] =	vst v19  }
0x92: {  	v25 =	vld [tilespmem:$0x3A0];
	v45 =	vshrl.u32 v30, $0x2;
	v51 =	vand.u32 $0x3FFFE000, v49;
	v0 =	vor.u32 v41, v39;
	[tilespmem:$0x570] =	vst v32  }
0x93: {  	v48 =	vand.u32 $0x1FFF, v30;
	v13 =	vand.u32 $0x3FFFE000, v62;
	v55 =	vor.u32 v53, v51;
	[tilespmem:$0x590] =	vst v0  }
0x94: {  	v43 =	vld [tilespmem:$0x3E0];
	v22 =	vand.u32 $0x3FFFE000, v20;
	v26 =	vand.u32 $0x3FFFE000, v24;
	v18 =	vor.u32 v15, v13;
	[tilespmem:$0x5C0] =	vst v55  }
0x95: {  	v46 =	vld [tilespmem:$0x3F0];
	v47 =	vand.u32 $0x3FFFE000, v45;
	v52 =	vshrl.u32 v37, $0x2;
	v1 =	vor.u32 v23, v22;
	[tilespmem:$0x530] =	vst v18  }
0x96: {  	v54 =	vand.u32 $0x1FFF, v37;
	v31 =	vor.u32 v28, v26;
	v3 =	vand.u32 $0x3FFFE000, v33;
	[tilespmem:$0x550] =	vst v1  }
0x97: {  	v40 =	vshrl.u32 v25, $0x2;
	v42 =	vand.u32 $0x1FFF, v25;
	v50 =	vor.u32 v48, v47;
	[tilespmem:$0x560] =	vst v31  }
0x98: {  	v38 =	vor.u32 v35, v3;
	v4 =	vand.u32 $0x3FFFE000, v40;
	v3 =	vand.u32 $0x3FFFE000, v52;
	[tilespmem:$0x5B0] =	vst v50  }
0x99: {  	v57 =	vshrl.u32 v43, $0x2;
	v59 =	vand.u32 $0x1FFF, v43;
	v44 =	vor.u32 v42, v4;
	[tilespmem:$0x580] =	vst v38  }
0x9a: {  	v60 =	vshrl.u32 v46, $0x2;
	v56 =	vor.u32 v54, v3;
	v58 =	vand.u32 $0x3FFFE000, v57;
	[tilespmem:$0x5A0] =	vst v44  }
0x9b: {  	v62 =	vand.u32 $0x1FFF, v46;
	v61 =	vand.u32 $0x3FFFE000, v60;
	[tilespmem:$0x5D0] =	vst v56;
	v0 =	vor.u32 v59, v58  }
0x9c: {  	v63 =	vor.u32 v62, v61;
	[tilespmem:$0x5E0] =	vst v0  }
0x9d: {  	[tilespmem:$0x5F0] =	vst v63  }
0x9e: {  	[tilespmem:s14], [sflag:$0x1] =	stream.indirect.gather [hbm4b:s4+s12], $0x80, s13, s12, $0xb8;
	[tilespmem:$0x10600] =	vst v63  }
0x9f: {  	_ = 	snop  }
0xa0: {  	[tilespmem:s16], [sflag:$0x1] =	stream.indirect.gather [hbm4b:s4+s12], $0x80, s15, s12, $0xb8;
	[tilespmem:$0x10600] =	vst v63  }
0xa1: {  	_ = 	snop  }
0xa2: {  	[tilespmem:s18], [sflag:$0x1] =	stream.indirect.gather [hbm4b:s4+s12], $0x80, s17, s12, $0xb8;
	[tilespmem:$0x10600] =	vst v63  }
0xa3: {  	_ = 	snop  }
0xa4: {  	[tilespmem:s20], [sflag:$0x1] =	stream.indirect.gather [hbm4b:s4+s12], $0x80, s19, s12, $0xb8;
	[tilespmem:$0x10600] =	vst v63  }
0xa5: {  	_ =	swait.ge [sflag:s21], $0x4000  }
0xa6: {  	[sflag:s21] =	ssyncset.done $0x0  }
0xa7: {  	[sflag:s21] =	ssyncadd.s32 $0xFFFFC000  }
0xa8: {  	_ =	swait.ge [sflag:s21], $0x4000  }
0xa9: {  	[sflag:s21] =	ssyncset.done $0x0  }
0xaa: {  	[sflag:s21] =	ssyncadd.s32 $0xFFFFC000  }
0xab: {  	_ =	swait.ge [sflag:s21], $0x4000  }
0xac: {  	[sflag:s21] =	ssyncset.done $0x0  }
0xad: {  	[sflag:s21] =	ssyncadd.s32 $0xFFFFC000  }
0xae: {  	_ =	swait.ge [sflag:s21], $0x4000  }
0xaf: {  	p0 =	sne.s32 s9, $0x1;
	[sflag:s21] =	ssyncset.done $0x0  }
.Ltmp0:
0xb0: {  	[sflag:s21] =	ssyncadd.s32 $0xFFFFC000;
	(pc) =	sbr.rel @p0 .LBB2_1-.Ltmp0, $4  }
0xb1: {  	[hbm4b:s8+s2] =	stream.linear.scatter [tilespmem:s14], [sflag:$0x2], $0x10000, $0x38;
	[tilespmem:$0x10600] =	vst v63  }
0xb2: {  	_ =	swait.ge [sflag:s10], $0x10000  }
0xb3: {  	[sflag:s10] =	ssyncset.done $0x0  }
0xb4: {  	s9 =	sadd.s32 $0xFFFFFFFF, s9;
	[sflag:s10] =	ssyncadd.s32 $0xFFFF0000  }
0xb5: {  	_ =	sfence.sel $0x180000  }
0xb6: {  	[bflag:$0x0] =	sbarrier.arrive $0xFFFF  }
0xb7: {  	p0 =	sne.s32 s1, $0x0;
	_ =	strace $0x90000047  }
0xb8: {  	s0 =	sadd.s32 @!p0 $0x100000, s0;
	[bflag:$0x2] =	sbarrier.arrive $0xFFFF  }
0xb9: {  	[sflag:s0] =	ssyncadd.tile.s32 @!p0 $0x1;
	_ =	shalt  }
.Lfunc_end2:
_tile_overlayer_lowered:
.L_overlay_start_2:
0xba: {  	(tag) =	ssettag $0x2  }
0xbb: {  	s0 =	rddreg [dreg:$0x0];
	s2 =	stileid.u32  }
0xbc: {  	s1 =	rddreg [dreg:$0x1];
	p0 =	sne.s32 s2, $0x0  }
0xbd: {  	s3 =	rddreg [dreg:$0x2];
	[bflag:$0x3] =	sbarrier.arrive $0xFFFF;
	s2 =	simm.s32 @!p0 $0x1C02  }
0xbe: {  	[timem:s3], [sflag:s2] =	dma.local @!p0 [hbm:s0], s1  }
0xbf: {  	s0 =	simm.s32 @!p0 $0x2  }
0xc0: {  	_ =	swait.ge @!p0 [sflag:s0], s1  }
0xc1: {  	s1 =	ssub.s32 @!p0 $0x0, s1;
	[sflag:s0] =	ssyncset.done @!p0 $0x0  }
0xc2: {  	[sflag:s0] =	ssyncadd.s32 @!p0 s1  }
0xc3: {  	[bflag:$0x3] =	sbarrier.arrive $0xFFFF  }
0xc4: {  	_ =	shalt  }

</sc_bundles>
